<compile_context>
chip_gen: v7x
topology: tpu7x:2x2x1
jax: 0.10.2.dev20260603
libtpu: 0.0.44.dev20260713+nightly
codegen_flags: <defaults>
</compile_context>

<pallas_src>
import functools

import jax
import jax.numpy as jnp
from jax import lax
from jax.experimental import pallas as pl
from jax.experimental.pallas import tpu as pltpu
from jax.experimental.pallas import tpu_sc as plsc

N = 10000
E = 320000
D = 128

NC = 2
NS = 16
NW = NC * NS
CHUNK = 128
CH = 80
E_PAD = NW * CH * CHUNK
PAIRS = CH // 2
N_PAD = 10112
ROWS_PER_TILE = N_PAD // NS
TRASH = N

_mesh = plsc.VectorSubcoreMesh(core_axis_name="c", subcore_axis_name="s")


def _sc_agg_body(h_hbm, src3, dst3, z128, agg_out,
                 sidx0, sidx1, didx0, didx1, rows0, rows1, agg_sh,
                 semg0, semg1, semsc0, semsc1):
    c = lax.axis_index("c")
    s = lax.axis_index("s")
    w = s * NC + c
    r0 = s * ROWS_PER_TILE
    pltpu.sync_copy(z128.at[pl.ds(r0, ROWS_PER_TILE)],
                    agg_sh.at[pl.ds(r0, ROWS_PER_TILE)])
    plsc.subcore_barrier()

    def fetch(j, sidx, didx):
        pltpu.sync_copy(src3.at[w, j], sidx)
        pltpu.sync_copy(dst3.at[w, j], didx)

    def pair(i, carry):
        jb = 2 * i + 1

        @pl.when(i == 0)
        def _():
            fetch(0, sidx0, didx0)
            pltpu.async_copy(h_hbm.at[sidx0], rows0, semg0)

        pltpu.make_async_copy(h_hbm.at[sidx0], rows0, semg0).wait()

        @pl.when(i > 0)
        def _():
            pltpu.make_async_copy(rows1, agg_sh.at[didx1], semsc1).wait()

        fetch(jb, sidx1, didx1)
        pltpu.async_copy(h_hbm.at[sidx1], rows1, semg1)
        pltpu.async_copy(rows0, agg_sh.at[didx0], semsc0, add=True)
        pltpu.make_async_copy(h_hbm.at[sidx1], rows1, semg1).wait()
        pltpu.make_async_copy(rows0, agg_sh.at[didx0], semsc0).wait()

        @pl.when(i < PAIRS - 1)
        def _():
            fetch(jb + 1, sidx0, didx0)
            pltpu.async_copy(h_hbm.at[sidx0], rows0, semg0)

        pltpu.async_copy(rows1, agg_sh.at[didx1], semsc1, add=True)
        return carry

    lax.fori_loop(0, PAIRS, pair, 0)
    pltpu.make_async_copy(rows1, agg_sh.at[didx1], semsc1).wait()
    plsc.subcore_barrier()
    pltpu.sync_copy(agg_sh.at[pl.ds(r0, ROWS_PER_TILE)],
                    agg_out.at[c, pl.ds(r0, ROWS_PER_TILE)])


def _sc_deg_body(dst3, z128, ones_hbm, deg_out,
                 dslab, ones_v, deg_sh, semsc0, semsc1):
    c = lax.axis_index("c")
    s = lax.axis_index("s")
    w = s * NC + c
    r0 = s * ROWS_PER_TILE
    pltpu.sync_copy(z128.at[pl.ds(r0, ROWS_PER_TILE)],
                    deg_sh.at[pl.ds(r0, ROWS_PER_TILE)])
    pltpu.sync_copy(ones_hbm, ones_v)
    pltpu.sync_copy(dst3.at[w], dslab)
    plsc.subcore_barrier()

    def sc_start(j, sem):
        pltpu.async_copy(ones_v, deg_sh.at[dslab.at[j]], sem, add=True)

    def sc_wait(j, sem):
        pltpu.make_async_copy(ones_v, deg_sh.at[dslab.at[j]], sem).wait()

    def pair(i, carry):
        ja = 2 * i
        jb = 2 * i + 1

        @pl.when(i == 0)
        def _():
            sc_start(ja, semsc0)

        sc_start(jb, semsc1)
        sc_wait(ja, semsc0)

        @pl.when(i < CH // 2 - 1)
        def _():
            sc_start(ja + 2, semsc0)

        sc_wait(jb, semsc1)
        return carry

    lax.fori_loop(0, CH // 2, pair, 0)
    plsc.subcore_barrier()
    pltpu.sync_copy(deg_sh.at[pl.ds(r0, ROWS_PER_TILE)],
                    deg_out.at[c, pl.ds(r0, ROWS_PER_TILE)])


_sc_agg = pl.kernel(
    _sc_agg_body,
    out_type=jax.ShapeDtypeStruct((NC, N_PAD, D), jnp.float32),
    mesh=_mesh,
    scratch_types=[
        pltpu.VMEM((CHUNK,), jnp.int32),
        pltpu.VMEM((CHUNK,), jnp.int32),
        pltpu.VMEM((CHUNK,), jnp.int32),
        pltpu.VMEM((CHUNK,), jnp.int32),
        pltpu.VMEM((CHUNK, D), jnp.float32),
        pltpu.VMEM((CHUNK, D), jnp.float32),
        pltpu.VMEM_SHARED((N_PAD, D), jnp.float32),
        pltpu.SemaphoreType.DMA,
        pltpu.SemaphoreType.DMA,
        pltpu.SemaphoreType.DMA,
        pltpu.SemaphoreType.DMA,
    ],
)

_sc_deg = pl.kernel(
    _sc_deg_body,
    out_type=jax.ShapeDtypeStruct((NC, N_PAD, D), jnp.float32),
    mesh=_mesh,
    scratch_types=[
        pltpu.VMEM((CH, CHUNK), jnp.int32),
        pltpu.VMEM((CHUNK, D), jnp.float32),
        pltpu.VMEM_SHARED((N_PAD, D), jnp.float32),
        pltpu.SemaphoreType.DMA,
        pltpu.SemaphoreType.DMA,
    ],
)


ROW_BLOCK = 1000


def _tc_layer_body(relu, h_ref, a0_ref, a1_ref, d0_ref, d1_ref,
                   ws_ref, wn_ref, b_ref, o_ref):
    h = h_ref[...]
    agg = a0_ref[...] + a1_ref[...]
    deg = d0_ref[...][:, 0:1] + d1_ref[...][:, 0:1]
    h_neigh = agg / jnp.maximum(deg, 1.0)
    out = (jnp.dot(h, ws_ref[...], preferred_element_type=jnp.float32)
           + jnp.dot(h_neigh, wn_ref[...], preferred_element_type=jnp.float32)
           + b_ref[...])
    if relu:
        out = jnp.where(out >= 0, out, 0.01 * out)
    o_ref[...] = out


def _tc_layer(h, a0, a1, d0, d1, ws, wn, b, relu):
    grid = N // ROW_BLOCK
    row = pl.BlockSpec((ROW_BLOCK, D), lambda i: (i, 0))
    deg16 = pl.BlockSpec((ROW_BLOCK, 16), lambda i: (i, 0))
    full = pl.BlockSpec((D, D), lambda i: (0, 0))
    return pl.pallas_call(
        functools.partial(_tc_layer_body, relu),
        grid=(grid,),
        in_specs=[row, row, row, deg16, deg16, full, full,
                  pl.BlockSpec((1, D), lambda i: (0, 0))],
        out_specs=row,
        out_shape=jax.ShapeDtypeStruct((N, D), jnp.float32),
    )(h, a0, a1, d0, d1, ws, wn, b.reshape(1, D))


def kernel(in_feat, edge_index, Ws1, Wn1, b1, Ws2, Wn2, b2, Ws3, Wn3, b3):
    src = edge_index[0]
    dst = edge_index[1]
    pad = E_PAD - E
    pad_idx = jnp.arange(pad, dtype=jnp.int32)
    src3 = jnp.concatenate(
        [src, (pad_idx * 97) % N]).reshape(NW, CH, CHUNK)
    dst3 = jnp.concatenate(
        [dst, TRASH + pad_idx % (N_PAD - N)]).reshape(NW, CH, CHUNK)
    z128 = jnp.zeros((N_PAD, D), jnp.float32)
    ones128 = jnp.ones((CHUNK, D), jnp.float32)

    deg = _sc_deg(dst3, z128, ones128)
    agg1 = _sc_agg(in_feat, src3, dst3, z128)
    d0 = deg[0, :N, :16]
    d1 = deg[1, :N, :16]
    h1 = _tc_layer(in_feat, agg1[0, :N], agg1[1, :N], d0, d1,
                   Ws1, Wn1, b1, relu=True)
    agg2 = _sc_agg(h1, src3, dst3, z128)
    h2 = _tc_layer(h1, agg2[0, :N], agg2[1, :N], d0, d1,
                   Ws2, Wn2, b2, relu=True)
    agg3 = _sc_agg(h2, src3, dst3, z128)
    return _tc_layer(h2, agg3[0, :N], agg3[1, :N], d0, d1,
                     Ws3, Wn3, b3, relu=False)

# --- scband reference (transcript-rebuilt; emitter-appended) ---
"""Pipeline reference for scband-graph-sage-87024627351878 (READ-ONLY COPY).

The authoritative reference and input builder live on the scoring server;
editing this copy changes nothing except your own understanding.
"""

import jax, jax.numpy as jnp
import numpy as np

N = 10000
E = 320000
D = 128


def setup_inputs(seed: int = 0):
    key = jax.random.key(seed)
    ks = jax.random.split(key, 12)
    x = jax.random.normal(ks[0], (N, D), dtype=jnp.float32)
    edge_index = jax.random.randint(ks[1], (2, E), 0, N, dtype=jnp.int32)
    s = 1.0 / np.sqrt(D)
    Ws1 = jax.random.normal(ks[2], (D, D), dtype=jnp.float32) * s
    Wn1 = jax.random.normal(ks[3], (D, D), dtype=jnp.float32) * s
    b1 = jax.random.normal(ks[4], (D,), dtype=jnp.float32) * 0.01
    Ws2 = jax.random.normal(ks[5], (D, D), dtype=jnp.float32) * s
    Wn2 = jax.random.normal(ks[6], (D, D), dtype=jnp.float32) * s
    b2 = jax.random.normal(ks[7], (D,), dtype=jnp.float32) * 0.01
    Ws3 = jax.random.normal(ks[8], (D, D), dtype=jnp.float32) * s
    Wn3 = jax.random.normal(ks[9], (D, D), dtype=jnp.float32) * s
    b3 = jax.random.normal(ks[10], (D,), dtype=jnp.float32) * 0.01
    return {"in_feat": x, "edge_index": edge_index,
            "Ws1": Ws1, "Wn1": Wn1, "b1": b1,
            "Ws2": Ws2, "Wn2": Wn2, "b2": b2,
            "Ws3": Ws3, "Wn3": Wn3, "b3": b3}


def _sage_conv(h, src, dst, Ws, Wn, b):
    # DGL SAGEConv with 'mean' aggregator:
    # h_neigh = mean over incoming edges of h[src]; rst = fc_self(h) + fc_neigh(h_neigh) + bias
    ones = jnp.ones((src.shape[0],), dtype=h.dtype)
    deg = jax.ops.segment_sum(ones, dst, num_segments=N)
    agg = jax.ops.segment_sum(jnp.take(h, src, axis=0), dst, num_segments=N)
    h_neigh = agg / jnp.maximum(deg, 1.0)[:, None]
    return h @ Ws + h_neigh @ Wn + b


def reference(in_feat, edge_index, Ws1, Wn1, b1, Ws2, Wn2, b2, Ws3, Wn3, b3):
    src = edge_index[0]
    dst = edge_index[1]
    h = _sage_conv(in_feat, src, dst, Ws1, Wn1, b1)
    h = jax.nn.leaky_relu(h, negative_slope=0.01)
    h = _sage_conv(h, src, dst, Ws2, Wn2, b2)
    h = jax.nn.leaky_relu(h, negative_slope=0.01)
    h = _sage_conv(h, src, dst, Ws3, Wn3, b3)
    return h

if __name__ == "__main__":
    import jax
    _d = setup_inputs()
    print(jax.jit(kernel)(*tuple(_d.values())))

</pallas_src>

<mosaic_0001>
#map = affine_map<(d0, d1) -> (0, 0, 0)>
#map1 = affine_map<(d0, d1) -> (0, 0)>
module attributes {stable_mosaic.version = 14 : i64} {
  func.func @_sc_deg_body(%arg0: i32, %arg1: i32, %arg2: memref<32x80x128xi32, #tpu.memory_space<hbm>>, %arg3: memref<10112x128xf32, #tpu.memory_space<hbm>>, %arg4: memref<128x128xf32, #tpu.memory_space<hbm>>, %arg5: memref<2x10112x128xf32, #tpu.memory_space<hbm>>, %arg6: memref<80x128xi32, #tpu.memory_space<vmem>>, %arg7: memref<128x128xf32, #tpu.memory_space<vmem>>, %arg8: memref<10112x128xf32, #tpu.memory_space<vmem_shared>>, %arg9: memref<!tpu.dma_semaphore, #tpu.memory_space<semaphore_mem>>, %arg10: memref<!tpu.dma_semaphore, #tpu.memory_space<semaphore_mem>>) attributes {dimension_semantics = [#tpu.dimension_semantics<core_parallel>, #tpu.dimension_semantics<subcore_parallel>], iteration_bounds = array<i64: 2, 16>, scalar_prefetch = 0 : i64, scratch_operands = 5 : i64, tpu.core_type = #tpu.core_type<sc_vector_subcore>, window_params = [{transform_indices = #map}, {transform_indices = #map1}, {transform_indices = #map1}, {transform_indices = #map}]} {
    %mul3A = arith.constant 2 : i32
    %mul3A_0 = arith.muli %arg1, %mul3A : i32
    %add3A = arith.addi %mul3A_0, %arg0 : i32
    %mul3A_1 = arith.constant 632 : i32
    %mul3A_2 = arith.muli %arg1, %mul3A_1 : i32
    "tpu.region"() ({
      %run_scoped3A = tpu.sem_alloc : memref<!tpu.dma_semaphore, #tpu.memory_space<semaphore_mem>>
      %dma_start3A = arith.constant 0 : i32
      %dma_start3A_9 = tpu.memref_slice %arg8[%mul3A_2, %dma_start3A] : memref<10112x128xf32, #tpu.memory_space<vmem_shared>> -> memref<632x128xf32, #tpu.memory_space<vmem_shared>>
      %dma_start3A_10 = arith.constant 0 : i32
      %dma_start3A_11 = tpu.memref_slice %arg3[%mul3A_2, %dma_start3A_10] : memref<10112x128xf32, #tpu.memory_space<hbm>> -> memref<632x128xf32, #tpu.memory_space<hbm>>
      tpu.enqueue_dma source(%dma_start3A_11 : memref<632x128xf32, #tpu.memory_space<hbm>>) target(%dma_start3A_9 : memref<632x128xf32, #tpu.memory_space<vmem_shared>>) target_semaphore(%run_scoped3A : memref<!tpu.dma_semaphore, #tpu.memory_space<semaphore_mem>>)
      %dma_wait3A = arith.constant 0 : i32
      %dma_wait3A_12 = tpu.memref_slice %arg8[%mul3A_2, %dma_wait3A] : memref<10112x128xf32, #tpu.memory_space<vmem_shared>> -> memref<632x128xf32, #tpu.memory_space<vmem_shared>>
      %dma_wait3A_13 = arith.constant 0 : i32
      %dma_wait3A_14 = tpu.memref_slice %arg3[%mul3A_2, %dma_wait3A_13] : memref<10112x128xf32, #tpu.memory_space<hbm>> -> memref<632x128xf32, #tpu.memory_space<hbm>>
      tpu.wait_dma2 semaphore(%run_scoped3A : memref<!tpu.dma_semaphore, #tpu.memory_space<semaphore_mem>>) src(%dma_wait3A_14 : memref<632x128xf32, #tpu.memory_space<hbm>>) dst(%dma_wait3A_12 : memref<632x128xf32, #tpu.memory_space<vmem_shared>>)
      tpu.yield
    }) : () -> ()
    "tpu.region"() ({
      %run_scoped3A = tpu.sem_alloc : memref<!tpu.dma_semaphore, #tpu.memory_space<semaphore_mem>>
      tpu.enqueue_dma source(%arg4 : memref<128x128xf32, #tpu.memory_space<hbm>>) target(%arg7 : memref<128x128xf32, #tpu.memory_space<vmem>>) target_semaphore(%run_scoped3A : memref<!tpu.dma_semaphore, #tpu.memory_space<semaphore_mem>>)
      tpu.wait_dma2 semaphore(%run_scoped3A : memref<!tpu.dma_semaphore, #tpu.memory_space<semaphore_mem>>) src(%arg4 : memref<128x128xf32, #tpu.memory_space<hbm>>) dst(%arg7 : memref<128x128xf32, #tpu.memory_space<vmem>>)
      tpu.yield
    }) : () -> ()
    "tpu.region"() ({
      %run_scoped3A = tpu.sem_alloc : memref<!tpu.dma_semaphore, #tpu.memory_space<semaphore_mem>>
      %dma_start3A = arith.constant 0 : i32
      %dma_start3A_9 = arith.constant 0 : i32
      %dma_start3A_10 = tpu.memref_slice %arg2[%add3A, %dma_start3A, %dma_start3A_9] : memref<32x80x128xi32, #tpu.memory_space<hbm>> -> memref<1x80x128xi32, #tpu.memory_space<hbm>>
      %dma_start3A_11 = tpu.memref_squeeze %dma_start3A_10 : memref<1x80x128xi32, #tpu.memory_space<hbm>> -> memref<80x128xi32, #tpu.memory_space<hbm>>
      %dma_start3A_12 = arith.constant 0 : i32
      %dma_start3A_13 = arith.constant 0 : i32
      %dma_start3A_14 = tpu.memref_slice %arg2[%add3A, %dma_start3A_12, %dma_start3A_13] : memref<32x80x128xi32, #tpu.memory_space<hbm>> -> memref<1x80x128xi32, #tpu.memory_space<hbm>>
      %dma_start3A_15 = tpu.memref_squeeze %dma_start3A_14 : memref<1x80x128xi32, #tpu.memory_space<hbm>> -> memref<80x128xi32, #tpu.memory_space<hbm>>
      tpu.enqueue_dma source(%dma_start3A_15 : memref<80x128xi32, #tpu.memory_space<hbm>>) target(%arg6 : memref<80x128xi32, #tpu.memory_space<vmem>>) target_semaphore(%run_scoped3A : memref<!tpu.dma_semaphore, #tpu.memory_space<semaphore_mem>>)
      %dma_wait3A = arith.constant 0 : i32
      %dma_wait3A_16 = arith.constant 0 : i32
      %dma_wait3A_17 = tpu.memref_slice %arg2[%add3A, %dma_wait3A, %dma_wait3A_16] : memref<32x80x128xi32, #tpu.memory_space<hbm>> -> memref<1x80x128xi32, #tpu.memory_space<hbm>>
      %dma_wait3A_18 = tpu.memref_squeeze %dma_wait3A_17 : memref<1x80x128xi32, #tpu.memory_space<hbm>> -> memref<80x128xi32, #tpu.memory_space<hbm>>
      %dma_wait3A_19 = arith.constant 0 : i32
      %dma_wait3A_20 = arith.constant 0 : i32
      %dma_wait3A_21 = tpu.memref_slice %arg2[%add3A, %dma_wait3A_19, %dma_wait3A_20] : memref<32x80x128xi32, #tpu.memory_space<hbm>> -> memref<1x80x128xi32, #tpu.memory_space<hbm>>
      %dma_wait3A_22 = tpu.memref_squeeze %dma_wait3A_21 : memref<1x80x128xi32, #tpu.memory_space<hbm>> -> memref<80x128xi32, #tpu.memory_space<hbm>>
      tpu.wait_dma2 semaphore(%run_scoped3A : memref<!tpu.dma_semaphore, #tpu.memory_space<semaphore_mem>>) src(%dma_wait3A_22 : memref<80x128xi32, #tpu.memory_space<hbm>>) dst(%arg6 : memref<80x128xi32, #tpu.memory_space<vmem>>)
      tpu.yield
    }) : () -> ()
    %barrier3A = arith.constant 0 : index
    tpu.barrier barrier_id(%barrier3A)
    %scan3A = arith.constant 0 : i32
    %scan3A_3 = arith.constant 0 : i32
    %scan3A_4 = arith.constant 40 : i32
    %scan3A_5 = arith.addi %scan3A_3, %scan3A_4 : i32
    %scan3A_6 = arith.constant 1 : i32
    scf.for %scan3A_9 = %scan3A_3 to %scan3A_5 step %scan3A_6  : i32 {
      %mul3A_10 = arith.constant 2 : i32
      %mul3A_11 = arith.muli %mul3A_10, %scan3A_9 : i32
      %mul3A_12 = arith.constant 2 : i32
      %mul3A_13 = arith.muli %mul3A_12, %scan3A_9 : i32
      %add3A_14 = arith.constant 1 : i32
      %add3A_15 = arith.addi %mul3A_13, %add3A_14 : i32
      %eq3A = arith.constant 0 : i32
      %eq3A_16 = arith.cmpi eq, %scan3A_9, %eq3A : i32
      %convert_element_type3A = arith.extui %eq3A_16 : i1 to i32
      %cond3A = arith.constant 0 : i32
      %cond3A_17 = arith.cmpi ne, %convert_element_type3A, %cond3A : i32
      scf.if %cond3A_17 {
        %dma_start3A_38 = arith.constant 0 : i32
        %dma_start3A_39 = tpu.memref_slice %arg6[%mul3A_11, %dma_start3A_38] : memref<80x128xi32, #tpu.memory_space<vmem>> -> memref<1x128xi32, #tpu.memory_space<vmem>>
        %dma_start3A_40 = tpu.memref_squeeze %dma_start3A_39 : memref<1x128xi32, #tpu.memory_space<vmem>> -> memref<128xi32, #tpu.memory_space<vmem>>
        %dma_start3A_41 = arith.constant 0 : i32
        %dma_start3A_42 = arith.constant 0 : i32
        %dma_start3A_43 = tpu.memref_slice %arg8[%dma_start3A_41, %dma_start3A_42] : memref<10112x128xf32, #tpu.memory_space<vmem_shared>> -> memref<10112x128xf32, #tpu.memory_space<vmem_shared>>
        tpu.enqueue_indirect_dma source(%arg7 : memref<128x128xf32, #tpu.memory_space<vmem>>) target(%dma_start3A_43 : memref<10112x128xf32, #tpu.memory_space<vmem_shared>>) offsets(%dma_start3A_40 : memref<128xi32, #tpu.memory_space<vmem>>) semaphore(%arg9 : memref<!tpu.dma_semaphore, #tpu.memory_space<semaphore_mem>>) {add = true}
      } else {
      }
      %dma_start3A = arith.constant 0 : i32
      %dma_start3A_18 = tpu.memref_slice %arg6[%add3A_15, %dma_start3A] : memref<80x128xi32, #tpu.memory_space<vmem>> -> memref<1x128xi32, #tpu.memory_space<vmem>>
      %dma_start3A_19 = tpu.memref_squeeze %dma_start3A_18 : memref<1x128xi32, #tpu.memory_space<vmem>> -> memref<128xi32, #tpu.memory_space<vmem>>
      %dma_start3A_20 = arith.constant 0 : i32
      %dma_start3A_21 = arith.constant 0 : i32
      %dma_start3A_22 = tpu.memref_slice %arg8[%dma_start3A_20, %dma_start3A_21] : memref<10112x128xf32, #tpu.memory_space<vmem_shared>> -> memref<10112x128xf32, #tpu.memory_space<vmem_shared>>
      tpu.enqueue_indirect_dma source(%arg7 : memref<128x128xf32, #tpu.memory_space<vmem>>) target(%dma_start3A_22 : memref<10112x128xf32, #tpu.memory_space<vmem_shared>>) offsets(%dma_start3A_19 : memref<128xi32, #tpu.memory_space<vmem>>) semaphore(%arg10 : memref<!tpu.dma_semaphore, #tpu.memory_space<semaphore_mem>>) {add = true}
      %dma_wait3A = arith.constant 0 : i32
      %dma_wait3A_23 = tpu.memref_slice %arg6[%mul3A_11, %dma_wait3A] : memref<80x128xi32, #tpu.memory_space<vmem>> -> memref<1x128xi32, #tpu.memory_space<vmem>>
      %dma_wait3A_24 = tpu.memref_squeeze %dma_wait3A_23 : memref<1x128xi32, #tpu.memory_space<vmem>> -> memref<128xi32, #tpu.memory_space<vmem>>
      %dma_wait3A_25 = arith.constant 0 : i32
      %dma_wait3A_26 = arith.constant 0 : i32
      %dma_wait3A_27 = tpu.memref_slice %arg8[%dma_wait3A_25, %dma_wait3A_26] : memref<10112x128xf32, #tpu.memory_space<vmem_shared>> -> memref<10112x128xf32, #tpu.memory_space<vmem_shared>>
      tpu.wait_indirect_dma semaphore(%arg9 : memref<!tpu.dma_semaphore, #tpu.memory_space<semaphore_mem>>) src(%arg7 : memref<128x128xf32, #tpu.memory_space<vmem>>) dst(%dma_wait3A_27 : memref<10112x128xf32, #tpu.memory_space<vmem_shared>>)
      %lt3A = arith.constant 39 : i32
      %lt3A_28 = arith.cmpi slt, %scan3A_9, %lt3A : i32
      %convert_element_type3A_29 = arith.extui %lt3A_28 : i1 to i32
      %cond3A_30 = arith.constant 0 : i32
      %cond3A_31 = arith.cmpi ne, %convert_element_type3A_29, %cond3A_30 : i32
      scf.if %cond3A_31 {
        %add3A_38 = arith.constant 2 : i32
        %add3A_39 = arith.addi %mul3A_11, %add3A_38 : i32
        %dma_start3A_40 = arith.constant 0 : i32
        %dma_start3A_41 = tpu.memref_slice %arg6[%add3A_39, %dma_start3A_40] : memref<80x128xi32, #tpu.memory_space<vmem>> -> memref<1x128xi32, #tpu.memory_space<vmem>>
        %dma_start3A_42 = tpu.memref_squeeze %dma_start3A_41 : memref<1x128xi32, #tpu.memory_space<vmem>> -> memref<128xi32, #tpu.memory_space<vmem>>
        %dma_start3A_43 = arith.constant 0 : i32
        %dma_start3A_44 = arith.constant 0 : i32
        %dma_start3A_45 = tpu.memref_slice %arg8[%dma_start3A_43, %dma_start3A_44] : memref<10112x128xf32, #tpu.memory_space<vmem_shared>> -> memref<10112x128xf32, #tpu.memory_space<vmem_shared>>
        tpu.enqueue_indirect_dma source(%arg7 : memref<128x128xf32, #tpu.memory_space<vmem>>) target(%dma_start3A_45 : memref<10112x128xf32, #tpu.memory_space<vmem_shared>>) offsets(%dma_start3A_42 : memref<128xi32, #tpu.memory_space<vmem>>) semaphore(%arg9 : memref<!tpu.dma_semaphore, #tpu.memory_space<semaphore_mem>>) {add = true}
      } else {
      }
      %dma_wait3A_32 = arith.constant 0 : i32
      %dma_wait3A_33 = tpu.memref_slice %arg6[%add3A_15, %dma_wait3A_32] : memref<80x128xi32, #tpu.memory_space<vmem>> -> memref<1x128xi32, #tpu.memory_space<vmem>>
      %dma_wait3A_34 = tpu.memref_squeeze %dma_wait3A_33 : memref<1x128xi32, #tpu.memory_space<vmem>> -> memref<128xi32, #tpu.memory_space<vmem>>
      %dma_wait3A_35 = arith.constant 0 : i32
      %dma_wait3A_36 = arith.constant 0 : i32
      %dma_wait3A_37 = tpu.memref_slice %arg8[%dma_wait3A_35, %dma_wait3A_36] : memref<10112x128xf32, #tpu.memory_space<vmem_shared>> -> memref<10112x128xf32, #tpu.memory_space<vmem_shared>>
      tpu.wait_indirect_dma semaphore(%arg10 : memref<!tpu.dma_semaphore, #tpu.memory_space<semaphore_mem>>) src(%arg7 : memref<128x128xf32, #tpu.memory_space<vmem>>) dst(%dma_wait3A_37 : memref<10112x128xf32, #tpu.memory_space<vmem_shared>>)
    }
    %scan3A_7 = arith.constant 40 : i32
    %barrier3A_8 = arith.constant 0 : index
    tpu.barrier barrier_id(%barrier3A_8)
    "tpu.region"() ({
      %run_scoped3A = tpu.sem_alloc : memref<!tpu.dma_semaphore, #tpu.memory_space<semaphore_mem>>
      %dma_start3A = arith.constant 0 : i32
      %dma_start3A_9 = tpu.memref_slice %arg5[%arg0, %mul3A_2, %dma_start3A] : memref<2x10112x128xf32, #tpu.memory_space<hbm>> -> memref<1x632x128xf32, #tpu.memory_space<hbm>>
      %dma_start3A_10 = tpu.memref_squeeze %dma_start3A_9 : memref<1x632x128xf32, #tpu.memory_space<hbm>> -> memref<632x128xf32, #tpu.memory_space<hbm>>
      %dma_start3A_11 = arith.constant 0 : i32
      %dma_start3A_12 = tpu.memref_slice %arg8[%mul3A_2, %dma_start3A_11] : memref<10112x128xf32, #tpu.memory_space<vmem_shared>> -> memref<632x128xf32, #tpu.memory_space<vmem_shared>>
      tpu.enqueue_dma source(%dma_start3A_12 : memref<632x128xf32, #tpu.memory_space<vmem_shared>>) target(%dma_start3A_10 : memref<632x128xf32, #tpu.memory_space<hbm>>) target_semaphore(%run_scoped3A : memref<!tpu.dma_semaphore, #tpu.memory_space<semaphore_mem>>)
      %dma_wait3A = arith.constant 0 : i32
      %dma_wait3A_13 = tpu.memref_slice %arg5[%arg0, %mul3A_2, %dma_wait3A] : memref<2x10112x128xf32, #tpu.memory_space<hbm>> -> memref<1x632x128xf32, #tpu.memory_space<hbm>>
      %dma_wait3A_14 = tpu.memref_squeeze %dma_wait3A_13 : memref<1x632x128xf32, #tpu.memory_space<hbm>> -> memref<632x128xf32, #tpu.memory_space<hbm>>
      %dma_wait3A_15 = arith.constant 0 : i32
      %dma_wait3A_16 = tpu.memref_slice %arg8[%mul3A_2, %dma_wait3A_15] : memref<10112x128xf32, #tpu.memory_space<vmem_shared>> -> memref<632x128xf32, #tpu.memory_space<vmem_shared>>
      tpu.wait_dma2 semaphore(%run_scoped3A : memref<!tpu.dma_semaphore, #tpu.memory_space<semaphore_mem>>) src(%dma_wait3A_16 : memref<632x128xf32, #tpu.memory_space<vmem_shared>>) dst(%dma_wait3A_14 : memref<632x128xf32, #tpu.memory_space<hbm>>)
      tpu.yield
    }) : () -> ()
    return
  }
}

#map = affine_map<(d0, d1) -> (0, 0)>
#map1 = affine_map<(d0, d1) -> (0, 0, 0)>
module attributes {stable_mosaic.version = 14 : i64} {
  func.func @_sc_agg_body(%arg0: i32, %arg1: i32, %arg2: memref<10000x128xf32, #tpu.memory_space<hbm>>, %arg3: memref<32x80x128xi32, #tpu.memory_space<hbm>>, %arg4: memref<32x80x128xi32, #tpu.memory_space<hbm>>, %arg5: memref<10112x128xf32, #tpu.memory_space<hbm>>, %arg6: memref<2x10112x128xf32, #tpu.memory_space<hbm>>, %arg7: memref<128xi32, #tpu.memory_space<vmem>>, %arg8: memref<128xi32, #tpu.memory_space<vmem>>, %arg9: memref<128xi32, #tpu.memory_space<vmem>>, %arg10: memref<128xi32, #tpu.memory_space<vmem>>, %arg11: memref<128x128xf32, #tpu.memory_space<vmem>>, %arg12: memref<128x128xf32, #tpu.memory_space<vmem>>, %arg13: memref<10112x128xf32, #tpu.memory_space<vmem_shared>>, %arg14: memref<!tpu.dma_semaphore, #tpu.memory_space<semaphore_mem>>, %arg15: memref<!tpu.dma_semaphore, #tpu.memory_space<semaphore_mem>>, %arg16: memref<!tpu.dma_semaphore, #tpu.memory_space<semaphore_mem>>, %arg17: memref<!tpu.dma_semaphore, #tpu.memory_space<semaphore_mem>>) attributes {dimension_semantics = [#tpu.dimension_semantics<core_parallel>, #tpu.dimension_semantics<subcore_parallel>], iteration_bounds = array<i64: 2, 16>, scalar_prefetch = 0 : i64, scratch_operands = 11 : i64, tpu.core_type = #tpu.core_type<sc_vector_subcore>, window_params = [{transform_indices = #map}, {transform_indices = #map1}, {transform_indices = #map1}, {transform_indices = #map}, {transform_indices = #map1}]} {
    %mul3A = arith.constant 2 : i32
    %mul3A_0 = arith.muli %arg1, %mul3A : i32
    %add3A = arith.addi %mul3A_0, %arg0 : i32
    %mul3A_1 = arith.constant 632 : i32
    %mul3A_2 = arith.muli %arg1, %mul3A_1 : i32
    "tpu.region"() ({
      %run_scoped3A = tpu.sem_alloc : memref<!tpu.dma_semaphore, #tpu.memory_space<semaphore_mem>>
      %dma_start3A = arith.constant 0 : i32
      %dma_start3A_11 = tpu.memref_slice %arg13[%mul3A_2, %dma_start3A] : memref<10112x128xf32, #tpu.memory_space<vmem_shared>> -> memref<632x128xf32, #tpu.memory_space<vmem_shared>>
      %dma_start3A_12 = arith.constant 0 : i32
      %dma_start3A_13 = tpu.memref_slice %arg5[%mul3A_2, %dma_start3A_12] : memref<10112x128xf32, #tpu.memory_space<hbm>> -> memref<632x128xf32, #tpu.memory_space<hbm>>
      tpu.enqueue_dma source(%dma_start3A_13 : memref<632x128xf32, #tpu.memory_space<hbm>>) target(%dma_start3A_11 : memref<632x128xf32, #tpu.memory_space<vmem_shared>>) target_semaphore(%run_scoped3A : memref<!tpu.dma_semaphore, #tpu.memory_space<semaphore_mem>>)
      %dma_wait3A_14 = arith.constant 0 : i32
      %dma_wait3A_15 = tpu.memref_slice %arg13[%mul3A_2, %dma_wait3A_14] : memref<10112x128xf32, #tpu.memory_space<vmem_shared>> -> memref<632x128xf32, #tpu.memory_space<vmem_shared>>
      %dma_wait3A_16 = arith.constant 0 : i32
      %dma_wait3A_17 = tpu.memref_slice %arg5[%mul3A_2, %dma_wait3A_16] : memref<10112x128xf32, #tpu.memory_space<hbm>> -> memref<632x128xf32, #tpu.memory_space<hbm>>
      tpu.wait_dma2 semaphore(%run_scoped3A : memref<!tpu.dma_semaphore, #tpu.memory_space<semaphore_mem>>) src(%dma_wait3A_17 : memref<632x128xf32, #tpu.memory_space<hbm>>) dst(%dma_wait3A_15 : memref<632x128xf32, #tpu.memory_space<vmem_shared>>)
      tpu.yield
    }) : () -> ()
    %barrier3A = arith.constant 0 : index
    tpu.barrier barrier_id(%barrier3A)
    %scan3A = arith.constant 0 : i32
    %scan3A_3 = arith.constant 0 : i32
    %scan3A_4 = arith.constant 40 : i32
    %scan3A_5 = arith.addi %scan3A_3, %scan3A_4 : i32
    %scan3A_6 = arith.constant 1 : i32
    scf.for %scan3A_11 = %scan3A_3 to %scan3A_5 step %scan3A_6  : i32 {
      %mul3A_12 = arith.constant 2 : i32
      %mul3A_13 = arith.muli %mul3A_12, %scan3A_11 : i32
      %add3A_14 = arith.constant 1 : i32
      %add3A_15 = arith.addi %mul3A_13, %add3A_14 : i32
      %eq3A = arith.constant 0 : i32
      %eq3A_16 = arith.cmpi eq, %scan3A_11, %eq3A : i32
      %convert_element_type3A = arith.extui %eq3A_16 : i1 to i32
      %cond3A = arith.constant 0 : i32
      %cond3A_17 = arith.cmpi ne, %convert_element_type3A, %cond3A : i32
      scf.if %cond3A_17 {
        %run_scoped3A = arith.constant 0 : i32
        "tpu.region"() ({
          %run_scoped3A_47 = tpu.sem_alloc : memref<!tpu.dma_semaphore, #tpu.memory_space<semaphore_mem>>
          %dma_start3A_48 = arith.constant 0 : i32
          %dma_start3A_49 = tpu.memref_slice %arg3[%add3A, %run_scoped3A, %dma_start3A_48] : memref<32x80x128xi32, #tpu.memory_space<hbm>> -> memref<1x1x128xi32, #tpu.memory_space<hbm>>
          %dma_start3A_50 = tpu.memref_squeeze %dma_start3A_49 : memref<1x1x128xi32, #tpu.memory_space<hbm>> -> memref<128xi32, #tpu.memory_space<hbm>>
          %dma_start3A_51 = arith.constant 0 : i32
          %dma_start3A_52 = tpu.memref_slice %arg3[%add3A, %run_scoped3A, %dma_start3A_51] : memref<32x80x128xi32, #tpu.memory_space<hbm>> -> memref<1x1x128xi32, #tpu.memory_space<hbm>>
          %dma_start3A_53 = tpu.memref_squeeze %dma_start3A_52 : memref<1x1x128xi32, #tpu.memory_space<hbm>> -> memref<128xi32, #tpu.memory_space<hbm>>
          tpu.enqueue_dma source(%dma_start3A_53 : memref<128xi32, #tpu.memory_space<hbm>>) target(%arg7 : memref<128xi32, #tpu.memory_space<vmem>>) target_semaphore(%run_scoped3A_47 : memref<!tpu.dma_semaphore, #tpu.memory_space<semaphore_mem>>)
          %dma_wait3A_54 = arith.constant 0 : i32
          %dma_wait3A_55 = tpu.memref_slice %arg3[%add3A, %run_scoped3A, %dma_wait3A_54] : memref<32x80x128xi32, #tpu.memory_space<hbm>> -> memref<1x1x128xi32, #tpu.memory_space<hbm>>
          %dma_wait3A_56 = tpu.memref_squeeze %dma_wait3A_55 : memref<1x1x128xi32, #tpu.memory_space<hbm>> -> memref<128xi32, #tpu.memory_space<hbm>>
          %dma_wait3A_57 = arith.constant 0 : i32
          %dma_wait3A_58 = tpu.memref_slice %arg3[%add3A, %run_scoped3A, %dma_wait3A_57] : memref<32x80x128xi32, #tpu.memory_space<hbm>> -> memref<1x1x128xi32, #tpu.memory_space<hbm>>
          %dma_wait3A_59 = tpu.memref_squeeze %dma_wait3A_58 : memref<1x1x128xi32, #tpu.memory_space<hbm>> -> memref<128xi32, #tpu.memory_space<hbm>>
          tpu.wait_dma2 semaphore(%run_scoped3A_47 : memref<!tpu.dma_semaphore, #tpu.memory_space<semaphore_mem>>) src(%dma_wait3A_59 : memref<128xi32, #tpu.memory_space<hbm>>) dst(%arg7 : memref<128xi32, #tpu.memory_space<vmem>>)
          tpu.yield
        }) : () -> ()
        %run_scoped3A_43 = arith.constant 0 : i32
        "tpu.region"() ({
          %run_scoped3A_47 = tpu.sem_alloc : memref<!tpu.dma_semaphore, #tpu.memory_space<semaphore_mem>>
          %dma_start3A_48 = arith.constant 0 : i32
          %dma_start3A_49 = tpu.memref_slice %arg4[%add3A, %run_scoped3A_43, %dma_start3A_48] : memref<32x80x128xi32, #tpu.memory_space<hbm>> -> memref<1x1x128xi32, #tpu.memory_space<hbm>>
          %dma_start3A_50 = tpu.memref_squeeze %dma_start3A_49 : memref<1x1x128xi32, #tpu.memory_space<hbm>> -> memref<128xi32, #tpu.memory_space<hbm>>
          %dma_start3A_51 = arith.constant 0 : i32
          %dma_start3A_52 = tpu.memref_slice %arg4[%add3A, %run_scoped3A_43, %dma_start3A_51] : memref<32x80x128xi32, #tpu.memory_space<hbm>> -> memref<1x1x128xi32, #tpu.memory_space<hbm>>
          %dma_start3A_53 = tpu.memref_squeeze %dma_start3A_52 : memref<1x1x128xi32, #tpu.memory_space<hbm>> -> memref<128xi32, #tpu.memory_space<hbm>>
          tpu.enqueue_dma source(%dma_start3A_53 : memref<128xi32, #tpu.memory_space<hbm>>) target(%arg9 : memref<128xi32, #tpu.memory_space<vmem>>) target_semaphore(%run_scoped3A_47 : memref<!tpu.dma_semaphore, #tpu.memory_space<semaphore_mem>>)
          %dma_wait3A_54 = arith.constant 0 : i32
          %dma_wait3A_55 = tpu.memref_slice %arg4[%add3A, %run_scoped3A_43, %dma_wait3A_54] : memref<32x80x128xi32, #tpu.memory_space<hbm>> -> memref<1x1x128xi32, #tpu.memory_space<hbm>>
          %dma_wait3A_56 = tpu.memref_squeeze %dma_wait3A_55 : memref<1x1x128xi32, #tpu.memory_space<hbm>> -> memref<128xi32, #tpu.memory_space<hbm>>
          %dma_wait3A_57 = arith.constant 0 : i32
          %dma_wait3A_58 = tpu.memref_slice %arg4[%add3A, %run_scoped3A_43, %dma_wait3A_57] : memref<32x80x128xi32, #tpu.memory_space<hbm>> -> memref<1x1x128xi32, #tpu.memory_space<hbm>>
          %dma_wait3A_59 = tpu.memref_squeeze %dma_wait3A_58 : memref<1x1x128xi32, #tpu.memory_space<hbm>> -> memref<128xi32, #tpu.memory_space<hbm>>
          tpu.wait_dma2 semaphore(%run_scoped3A_47 : memref<!tpu.dma_semaphore, #tpu.memory_space<semaphore_mem>>) src(%dma_wait3A_59 : memref<128xi32, #tpu.memory_space<hbm>>) dst(%arg9 : memref<128xi32, #tpu.memory_space<vmem>>)
          tpu.yield
        }) : () -> ()
        %dma_start3A_44 = arith.constant 0 : i32
        %dma_start3A_45 = arith.constant 0 : i32
        %dma_start3A_46 = tpu.memref_slice %arg2[%dma_start3A_44, %dma_start3A_45] : memref<10000x128xf32, #tpu.memory_space<hbm>> -> memref<10000x128xf32, #tpu.memory_space<hbm>>
        tpu.enqueue_indirect_dma source(%dma_start3A_46 : memref<10000x128xf32, #tpu.memory_space<hbm>>) target(%arg11 : memref<128x128xf32, #tpu.memory_space<vmem>>) offsets(%arg7 : memref<128xi32, #tpu.memory_space<vmem>>) semaphore(%arg14 : memref<!tpu.dma_semaphore, #tpu.memory_space<semaphore_mem>>)
      } else {
      }
      %dma_wait3A_18 = arith.constant 0 : i32
      %dma_wait3A_19 = arith.constant 0 : i32
      %dma_wait3A_20 = tpu.memref_slice %arg2[%dma_wait3A_18, %dma_wait3A_19] : memref<10000x128xf32, #tpu.memory_space<hbm>> -> memref<10000x128xf32, #tpu.memory_space<hbm>>
      tpu.wait_indirect_dma semaphore(%arg14 : memref<!tpu.dma_semaphore, #tpu.memory_space<semaphore_mem>>) src(%dma_wait3A_20 : memref<10000x128xf32, #tpu.memory_space<hbm>>) dst(%arg11 : memref<128x128xf32, #tpu.memory_space<vmem>>)
      %gt3A = arith.constant 0 : i32
      %gt3A_21 = arith.cmpi sgt, %scan3A_11, %gt3A : i32
      %convert_element_type3A_22 = arith.extui %gt3A_21 : i1 to i32
      %cond3A_23 = arith.constant 0 : i32
      %cond3A_24 = arith.cmpi ne, %convert_element_type3A_22, %cond3A_23 : i32
      scf.if %cond3A_24 {
        %dma_wait3A_43 = arith.constant 0 : i32
        %dma_wait3A_44 = arith.constant 0 : i32
        %dma_wait3A_45 = tpu.memref_slice %arg13[%dma_wait3A_43, %dma_wait3A_44] : memref<10112x128xf32, #tpu.memory_space<vmem_shared>> -> memref<10112x128xf32, #tpu.memory_space<vmem_shared>>
        tpu.wait_indirect_dma semaphore(%arg17 : memref<!tpu.dma_semaphore, #tpu.memory_space<semaphore_mem>>) src(%arg12 : memref<128x128xf32, #tpu.memory_space<vmem>>) dst(%dma_wait3A_45 : memref<10112x128xf32, #tpu.memory_space<vmem_shared>>)
      } else {
      }
      "tpu.region"() ({
        %run_scoped3A = tpu.sem_alloc : memref<!tpu.dma_semaphore, #tpu.memory_space<semaphore_mem>>
        %dma_start3A_43 = arith.constant 0 : i32
        %dma_start3A_44 = tpu.memref_slice %arg3[%add3A, %add3A_15, %dma_start3A_43] : memref<32x80x128xi32, #tpu.memory_space<hbm>> -> memref<1x1x128xi32, #tpu.memory_space<hbm>>
        %dma_start3A_45 = tpu.memref_squeeze %dma_start3A_44 : memref<1x1x128xi32, #tpu.memory_space<hbm>> -> memref<128xi32, #tpu.memory_space<hbm>>
        %dma_start3A_46 = arith.constant 0 : i32
        %dma_start3A_47 = tpu.memref_slice %arg3[%add3A, %add3A_15, %dma_start3A_46] : memref<32x80x128xi32, #tpu.memory_space<hbm>> -> memref<1x1x128xi32, #tpu.memory_space<hbm>>
        %dma_start3A_48 = tpu.memref_squeeze %dma_start3A_47 : memref<1x1x128xi32, #tpu.memory_space<hbm>> -> memref<128xi32, #tpu.memory_space<hbm>>
        tpu.enqueue_dma source(%dma_start3A_48 : memref<128xi32, #tpu.memory_space<hbm>>) target(%arg8 : memref<128xi32, #tpu.memory_space<vmem>>) target_semaphore(%run_scoped3A : memref<!tpu.dma_semaphore, #tpu.memory_space<semaphore_mem>>)
        %dma_wait3A_49 = arith.constant 0 : i32
        %dma_wait3A_50 = tpu.memref_slice %arg3[%add3A, %add3A_15, %dma_wait3A_49] : memref<32x80x128xi32, #tpu.memory_space<hbm>> -> memref<1x1x128xi32, #tpu.memory_space<hbm>>
        %dma_wait3A_51 = tpu.memref_squeeze %dma_wait3A_50 : memref<1x1x128xi32, #tpu.memory_space<hbm>> -> memref<128xi32, #tpu.memory_space<hbm>>
        %dma_wait3A_52 = arith.constant 0 : i32
        %dma_wait3A_53 = tpu.memref_slice %arg3[%add3A, %add3A_15, %dma_wait3A_52] : memref<32x80x128xi32, #tpu.memory_space<hbm>> -> memref<1x1x128xi32, #tpu.memory_space<hbm>>
        %dma_wait3A_54 = tpu.memref_squeeze %dma_wait3A_53 : memref<1x1x128xi32, #tpu.memory_space<hbm>> -> memref<128xi32, #tpu.memory_space<hbm>>
        tpu.wait_dma2 semaphore(%run_scoped3A : memref<!tpu.dma_semaphore, #tpu.memory_space<semaphore_mem>>) src(%dma_wait3A_54 : memref<128xi32, #tpu.memory_space<hbm>>) dst(%arg8 : memref<128xi32, #tpu.memory_space<vmem>>)
        tpu.yield
      }) : () -> ()
      "tpu.region"() ({
        %run_scoped3A = tpu.sem_alloc : memref<!tpu.dma_semaphore, #tpu.memory_space<semaphore_mem>>
        %dma_start3A_43 = arith.constant 0 : i32
        %dma_start3A_44 = tpu.memref_slice %arg4[%add3A, %add3A_15, %dma_start3A_43] : memref<32x80x128xi32, #tpu.memory_space<hbm>> -> memref<1x1x128xi32, #tpu.memory_space<hbm>>
        %dma_start3A_45 = tpu.memref_squeeze %dma_start3A_44 : memref<1x1x128xi32, #tpu.memory_space<hbm>> -> memref<128xi32, #tpu.memory_space<hbm>>
        %dma_start3A_46 = arith.constant 0 : i32
        %dma_start3A_47 = tpu.memref_slice %arg4[%add3A, %add3A_15, %dma_start3A_46] : memref<32x80x128xi32, #tpu.memory_space<hbm>> -> memref<1x1x128xi32, #tpu.memory_space<hbm>>
        %dma_start3A_48 = tpu.memref_squeeze %dma_start3A_47 : memref<1x1x128xi32, #tpu.memory_space<hbm>> -> memref<128xi32, #tpu.memory_space<hbm>>
        tpu.enqueue_dma source(%dma_start3A_48 : memref<128xi32, #tpu.memory_space<hbm>>) target(%arg10 : memref<128xi32, #tpu.memory_space<vmem>>) target_semaphore(%run_scoped3A : memref<!tpu.dma_semaphore, #tpu.memory_space<semaphore_mem>>)
        %dma_wait3A_49 = arith.constant 0 : i32
        %dma_wait3A_50 = tpu.memref_slice %arg4[%add3A, %add3A_15, %dma_wait3A_49] : memref<32x80x128xi32, #tpu.memory_space<hbm>> -> memref<1x1x128xi32, #tpu.memory_space<hbm>>
        %dma_wait3A_51 = tpu.memref_squeeze %dma_wait3A_50 : memref<1x1x128xi32, #tpu.memory_space<hbm>> -> memref<128xi32, #tpu.memory_space<hbm>>
        %dma_wait3A_52 = arith.constant 0 : i32
        %dma_wait3A_53 = tpu.memref_slice %arg4[%add3A, %add3A_15, %dma_wait3A_52] : memref<32x80x128xi32, #tpu.memory_space<hbm>> -> memref<1x1x128xi32, #tpu.memory_space<hbm>>
        %dma_wait3A_54 = tpu.memref_squeeze %dma_wait3A_53 : memref<1x1x128xi32, #tpu.memory_space<hbm>> -> memref<128xi32, #tpu.memory_space<hbm>>
        tpu.wait_dma2 semaphore(%run_scoped3A : memref<!tpu.dma_semaphore, #tpu.memory_space<semaphore_mem>>) src(%dma_wait3A_54 : memref<128xi32, #tpu.memory_space<hbm>>) dst(%arg10 : memref<128xi32, #tpu.memory_space<vmem>>)
        tpu.yield
      }) : () -> ()
      %dma_start3A = arith.constant 0 : i32
      %dma_start3A_25 = arith.constant 0 : i32
      %dma_start3A_26 = tpu.memref_slice %arg2[%dma_start3A, %dma_start3A_25] : memref<10000x128xf32, #tpu.memory_space<hbm>> -> memref<10000x128xf32, #tpu.memory_space<hbm>>
      tpu.enqueue_indirect_dma source(%dma_start3A_26 : memref<10000x128xf32, #tpu.memory_space<hbm>>) target(%arg12 : memref<128x128xf32, #tpu.memory_space<vmem>>) offsets(%arg8 : memref<128xi32, #tpu.memory_space<vmem>>) semaphore(%arg15 : memref<!tpu.dma_semaphore, #tpu.memory_space<semaphore_mem>>)
      %dma_start3A_27 = arith.constant 0 : i32
      %dma_start3A_28 = arith.constant 0 : i32
      %dma_start3A_29 = tpu.memref_slice %arg13[%dma_start3A_27, %dma_start3A_28] : memref<10112x128xf32, #tpu.memory_space<vmem_shared>> -> memref<10112x128xf32, #tpu.memory_space<vmem_shared>>
      tpu.enqueue_indirect_dma source(%arg11 : memref<128x128xf32, #tpu.memory_space<vmem>>) target(%dma_start3A_29 : memref<10112x128xf32, #tpu.memory_space<vmem_shared>>) offsets(%arg9 : memref<128xi32, #tpu.memory_space<vmem>>) semaphore(%arg16 : memref<!tpu.dma_semaphore, #tpu.memory_space<semaphore_mem>>) {add = true}
      %dma_wait3A_30 = arith.constant 0 : i32
      %dma_wait3A_31 = arith.constant 0 : i32
      %dma_wait3A_32 = tpu.memref_slice %arg2[%dma_wait3A_30, %dma_wait3A_31] : memref<10000x128xf32, #tpu.memory_space<hbm>> -> memref<10000x128xf32, #tpu.memory_space<hbm>>
      tpu.wait_indirect_dma semaphore(%arg15 : memref<!tpu.dma_semaphore, #tpu.memory_space<semaphore_mem>>) src(%dma_wait3A_32 : memref<10000x128xf32, #tpu.memory_space<hbm>>) dst(%arg12 : memref<128x128xf32, #tpu.memory_space<vmem>>)
      %dma_wait3A_33 = arith.constant 0 : i32
      %dma_wait3A_34 = arith.constant 0 : i32
      %dma_wait3A_35 = tpu.memref_slice %arg13[%dma_wait3A_33, %dma_wait3A_34] : memref<10112x128xf32, #tpu.memory_space<vmem_shared>> -> memref<10112x128xf32, #tpu.memory_space<vmem_shared>>
      tpu.wait_indirect_dma semaphore(%arg16 : memref<!tpu.dma_semaphore, #tpu.memory_space<semaphore_mem>>) src(%arg11 : memref<128x128xf32, #tpu.memory_space<vmem>>) dst(%dma_wait3A_35 : memref<10112x128xf32, #tpu.memory_space<vmem_shared>>)
      %lt3A = arith.constant 39 : i32
      %lt3A_36 = arith.cmpi slt, %scan3A_11, %lt3A : i32
      %convert_element_type3A_37 = arith.extui %lt3A_36 : i1 to i32
      %cond3A_38 = arith.constant 0 : i32
      %cond3A_39 = arith.cmpi ne, %convert_element_type3A_37, %cond3A_38 : i32
      scf.if %cond3A_39 {
        %add3A_43 = arith.constant 1 : i32
        %add3A_44 = arith.addi %add3A_15, %add3A_43 : i32
        "tpu.region"() ({
          %run_scoped3A = tpu.sem_alloc : memref<!tpu.dma_semaphore, #tpu.memory_space<semaphore_mem>>
          %dma_start3A_48 = arith.constant 0 : i32
          %dma_start3A_49 = tpu.memref_slice %arg3[%add3A, %add3A_44, %dma_start3A_48] : memref<32x80x128xi32, #tpu.memory_space<hbm>> -> memref<1x1x128xi32, #tpu.memory_space<hbm>>
          %dma_start3A_50 = tpu.memref_squeeze %dma_start3A_49 : memref<1x1x128xi32, #tpu.memory_space<hbm>> -> memref<128xi32, #tpu.memory_space<hbm>>
          %dma_start3A_51 = arith.constant 0 : i32
          %dma_start3A_52 = tpu.memref_slice %arg3[%add3A, %add3A_44, %dma_start3A_51] : memref<32x80x128xi32, #tpu.memory_space<hbm>> -> memref<1x1x128xi32, #tpu.memory_space<hbm>>
          %dma_start3A_53 = tpu.memref_squeeze %dma_start3A_52 : memref<1x1x128xi32, #tpu.memory_space<hbm>> -> memref<128xi32, #tpu.memory_space<hbm>>
          tpu.enqueue_dma source(%dma_start3A_53 : memref<128xi32, #tpu.memory_space<hbm>>) target(%arg7 : memref<128xi32, #tpu.memory_space<vmem>>) target_semaphore(%run_scoped3A : memref<!tpu.dma_semaphore, #tpu.memory_space<semaphore_mem>>)
          %dma_wait3A_54 = arith.constant 0 : i32
          %dma_wait3A_55 = tpu.memref_slice %arg3[%add3A, %add3A_44, %dma_wait3A_54] : memref<32x80x128xi32, #tpu.memory_space<hbm>> -> memref<1x1x128xi32, #tpu.memory_space<hbm>>
          %dma_wait3A_56 = tpu.memref_squeeze %dma_wait3A_55 : memref<1x1x128xi32, #tpu.memory_space<hbm>> -> memref<128xi32, #tpu.memory_space<hbm>>
          %dma_wait3A_57 = arith.constant 0 : i32
          %dma_wait3A_58 = tpu.memref_slice %arg3[%add3A, %add3A_44, %dma_wait3A_57] : memref<32x80x128xi32, #tpu.memory_space<hbm>> -> memref<1x1x128xi32, #tpu.memory_space<hbm>>
          %dma_wait3A_59 = tpu.memref_squeeze %dma_wait3A_58 : memref<1x1x128xi32, #tpu.memory_space<hbm>> -> memref<128xi32, #tpu.memory_space<hbm>>
          tpu.wait_dma2 semaphore(%run_scoped3A : memref<!tpu.dma_semaphore, #tpu.memory_space<semaphore_mem>>) src(%dma_wait3A_59 : memref<128xi32, #tpu.memory_space<hbm>>) dst(%arg7 : memref<128xi32, #tpu.memory_space<vmem>>)
          tpu.yield
        }) : () -> ()
        "tpu.region"() ({
          %run_scoped3A = tpu.sem_alloc : memref<!tpu.dma_semaphore, #tpu.memory_space<semaphore_mem>>
          %dma_start3A_48 = arith.constant 0 : i32
          %dma_start3A_49 = tpu.memref_slice %arg4[%add3A, %add3A_44, %dma_start3A_48] : memref<32x80x128xi32, #tpu.memory_space<hbm>> -> memref<1x1x128xi32, #tpu.memory_space<hbm>>
          %dma_start3A_50 = tpu.memref_squeeze %dma_start3A_49 : memref<1x1x128xi32, #tpu.memory_space<hbm>> -> memref<128xi32, #tpu.memory_space<hbm>>
          %dma_start3A_51 = arith.constant 0 : i32
          %dma_start3A_52 = tpu.memref_slice %arg4[%add3A, %add3A_44, %dma_start3A_51] : memref<32x80x128xi32, #tpu.memory_space<hbm>> -> memref<1x1x128xi32, #tpu.memory_space<hbm>>
          %dma_start3A_53 = tpu.memref_squeeze %dma_start3A_52 : memref<1x1x128xi32, #tpu.memory_space<hbm>> -> memref<128xi32, #tpu.memory_space<hbm>>
          tpu.enqueue_dma source(%dma_start3A_53 : memref<128xi32, #tpu.memory_space<hbm>>) target(%arg9 : memref<128xi32, #tpu.memory_space<vmem>>) target_semaphore(%run_scoped3A : memref<!tpu.dma_semaphore, #tpu.memory_space<semaphore_mem>>)
          %dma_wait3A_54 = arith.constant 0 : i32
          %dma_wait3A_55 = tpu.memref_slice %arg4[%add3A, %add3A_44, %dma_wait3A_54] : memref<32x80x128xi32, #tpu.memory_space<hbm>> -> memref<1x1x128xi32, #tpu.memory_space<hbm>>
          %dma_wait3A_56 = tpu.memref_squeeze %dma_wait3A_55 : memref<1x1x128xi32, #tpu.memory_space<hbm>> -> memref<128xi32, #tpu.memory_space<hbm>>
          %dma_wait3A_57 = arith.constant 0 : i32
          %dma_wait3A_58 = tpu.memref_slice %arg4[%add3A, %add3A_44, %dma_wait3A_57] : memref<32x80x128xi32, #tpu.memory_space<hbm>> -> memref<1x1x128xi32, #tpu.memory_space<hbm>>
          %dma_wait3A_59 = tpu.memref_squeeze %dma_wait3A_58 : memref<1x1x128xi32, #tpu.memory_space<hbm>> -> memref<128xi32, #tpu.memory_space<hbm>>
          tpu.wait_dma2 semaphore(%run_scoped3A : memref<!tpu.dma_semaphore, #tpu.memory_space<semaphore_mem>>) src(%dma_wait3A_59 : memref<128xi32, #tpu.memory_space<hbm>>) dst(%arg9 : memref<128xi32, #tpu.memory_space<vmem>>)
          tpu.yield
        }) : () -> ()
        %dma_start3A_45 = arith.constant 0 : i32
        %dma_start3A_46 = arith.constant 0 : i32
        %dma_start3A_47 = tpu.memref_slice %arg2[%dma_start3A_45, %dma_start3A_46] : memref<10000x128xf32, #tpu.memory_space<hbm>> -> memref<10000x128xf32, #tpu.memory_space<hbm>>
        tpu.enqueue_indirect_dma source(%dma_start3A_47 : memref<10000x128xf32, #tpu.memory_space<hbm>>) target(%arg11 : memref<128x128xf32, #tpu.memory_space<vmem>>) offsets(%arg7 : memref<128xi32, #tpu.memory_space<vmem>>) semaphore(%arg14 : memref<!tpu.dma_semaphore, #tpu.memory_space<semaphore_mem>>)
      } else {
      }
      %dma_start3A_40 = arith.constant 0 : i32
      %dma_start3A_41 = arith.constant 0 : i32
      %dma_start3A_42 = tpu.memref_slice %arg13[%dma_start3A_40, %dma_start3A_41] : memref<10112x128xf32, #tpu.memory_space<vmem_shared>> -> memref<10112x128xf32, #tpu.memory_space<vmem_shared>>
      tpu.enqueue_indirect_dma source(%arg12 : memref<128x128xf32, #tpu.memory_space<vmem>>) target(%dma_start3A_42 : memref<10112x128xf32, #tpu.memory_space<vmem_shared>>) offsets(%arg10 : memref<128xi32, #tpu.memory_space<vmem>>) semaphore(%arg17 : memref<!tpu.dma_semaphore, #tpu.memory_space<semaphore_mem>>) {add = true}
    }
    %scan3A_7 = arith.constant 40 : i32
    %dma_wait3A = arith.constant 0 : i32
    %dma_wait3A_8 = arith.constant 0 : i32
    %dma_wait3A_9 = tpu.memref_slice %arg13[%dma_wait3A, %dma_wait3A_8] : memref<10112x128xf32, #tpu.memory_space<vmem_shared>> -> memref<10112x128xf32, #tpu.memory_space<vmem_shared>>
    tpu.wait_indirect_dma semaphore(%arg17 : memref<!tpu.dma_semaphore, #tpu.memory_space<semaphore_mem>>) src(%arg12 : memref<128x128xf32, #tpu.memory_space<vmem>>) dst(%dma_wait3A_9 : memref<10112x128xf32, #tpu.memory_space<vmem_shared>>)
    %barrier3A_10 = arith.constant 0 : index
    tpu.barrier barrier_id(%barrier3A_10)
    "tpu.region"() ({
      %run_scoped3A = tpu.sem_alloc : memref<!tpu.dma_semaphore, #tpu.memory_space<semaphore_mem>>
      %dma_start3A = arith.constant 0 : i32
      %dma_start3A_11 = tpu.memref_slice %arg6[%arg0, %mul3A_2, %dma_start3A] : memref<2x10112x128xf32, #tpu.memory_space<hbm>> -> memref<1x632x128xf32, #tpu.memory_space<hbm>>
      %dma_start3A_12 = tpu.memref_squeeze %dma_start3A_11 : memref<1x632x128xf32, #tpu.memory_space<hbm>> -> memref<632x128xf32, #tpu.memory_space<hbm>>
      %dma_start3A_13 = arith.constant 0 : i32
      %dma_start3A_14 = tpu.memref_slice %arg13[%mul3A_2, %dma_start3A_13] : memref<10112x128xf32, #tpu.memory_space<vmem_shared>> -> memref<632x128xf32, #tpu.memory_space<vmem_shared>>
      tpu.enqueue_dma source(%dma_start3A_14 : memref<632x128xf32, #tpu.memory_space<vmem_shared>>) target(%dma_start3A_12 : memref<632x128xf32, #tpu.memory_space<hbm>>) target_semaphore(%run_scoped3A : memref<!tpu.dma_semaphore, #tpu.memory_space<semaphore_mem>>)
      %dma_wait3A_15 = arith.constant 0 : i32
      %dma_wait3A_16 = tpu.memref_slice %arg6[%arg0, %mul3A_2, %dma_wait3A_15] : memref<2x10112x128xf32, #tpu.memory_space<hbm>> -> memref<1x632x128xf32, #tpu.memory_space<hbm>>
      %dma_wait3A_17 = tpu.memref_squeeze %dma_wait3A_16 : memref<1x632x128xf32, #tpu.memory_space<hbm>> -> memref<632x128xf32, #tpu.memory_space<hbm>>
      %dma_wait3A_18 = arith.constant 0 : i32
      %dma_wait3A_19 = tpu.memref_slice %arg13[%mul3A_2, %dma_wait3A_18] : memref<10112x128xf32, #tpu.memory_space<vmem_shared>> -> memref<632x128xf32, #tpu.memory_space<vmem_shared>>
      tpu.wait_dma2 semaphore(%run_scoped3A : memref<!tpu.dma_semaphore, #tpu.memory_space<semaphore_mem>>) src(%dma_wait3A_19 : memref<632x128xf32, #tpu.memory_space<vmem_shared>>) dst(%dma_wait3A_17 : memref<632x128xf32, #tpu.memory_space<hbm>>)
      tpu.yield
    }) : () -> ()
    return
  }
}

#map = affine_map<(d0, d1) -> (0, 0)>
#map1 = affine_map<(d0, d1) -> (0, 0, 0)>
module attributes {stable_mosaic.version = 14 : i64} {
  func.func @_sc_agg_body(%arg0: i32, %arg1: i32, %arg2: memref<10000x128xf32, #tpu.memory_space<hbm>>, %arg3: memref<32x80x128xi32, #tpu.memory_space<hbm>>, %arg4: memref<32x80x128xi32, #tpu.memory_space<hbm>>, %arg5: memref<10112x128xf32, #tpu.memory_space<hbm>>, %arg6: memref<2x10112x128xf32, #tpu.memory_space<hbm>>, %arg7: memref<128xi32, #tpu.memory_space<vmem>>, %arg8: memref<128xi32, #tpu.memory_space<vmem>>, %arg9: memref<128xi32, #tpu.memory_space<vmem>>, %arg10: memref<128xi32, #tpu.memory_space<vmem>>, %arg11: memref<128x128xf32, #tpu.memory_space<vmem>>, %arg12: memref<128x128xf32, #tpu.memory_space<vmem>>, %arg13: memref<10112x128xf32, #tpu.memory_space<vmem_shared>>, %arg14: memref<!tpu.dma_semaphore, #tpu.memory_space<semaphore_mem>>, %arg15: memref<!tpu.dma_semaphore, #tpu.memory_space<semaphore_mem>>, %arg16: memref<!tpu.dma_semaphore, #tpu.memory_space<semaphore_mem>>, %arg17: memref<!tpu.dma_semaphore, #tpu.memory_space<semaphore_mem>>) attributes {dimension_semantics = [#tpu.dimension_semantics<core_parallel>, #tpu.dimension_semantics<subcore_parallel>], iteration_bounds = array<i64: 2, 16>, scalar_prefetch = 0 : i64, scratch_operands = 11 : i64, tpu.core_type = #tpu.core_type<sc_vector_subcore>, window_params = [{transform_indices = #map}, {transform_indices = #map1}, {transform_indices = #map1}, {transform_indices = #map}, {transform_indices = #map1}]} {
    %mul3A = arith.constant 2 : i32
    %mul3A_0 = arith.muli %arg1, %mul3A : i32
    %add3A = arith.addi %mul3A_0, %arg0 : i32
    %mul3A_1 = arith.constant 632 : i32
    %mul3A_2 = arith.muli %arg1, %mul3A_1 : i32
    "tpu.region"() ({
      %run_scoped3A = tpu.sem_alloc : memref<!tpu.dma_semaphore, #tpu.memory_space<semaphore_mem>>
      %dma_start3A = arith.constant 0 : i32
      %dma_start3A_11 = tpu.memref_slice %arg13[%mul3A_2, %dma_start3A] : memref<10112x128xf32, #tpu.memory_space<vmem_shared>> -> memref<632x128xf32, #tpu.memory_space<vmem_shared>>
      %dma_start3A_12 = arith.constant 0 : i32
      %dma_start3A_13 = tpu.memref_slice %arg5[%mul3A_2, %dma_start3A_12] : memref<10112x128xf32, #tpu.memory_space<hbm>> -> memref<632x128xf32, #tpu.memory_space<hbm>>
      tpu.enqueue_dma source(%dma_start3A_13 : memref<632x128xf32, #tpu.memory_space<hbm>>) target(%dma_start3A_11 : memref<632x128xf32, #tpu.memory_space<vmem_shared>>) target_semaphore(%run_scoped3A : memref<!tpu.dma_semaphore, #tpu.memory_space<semaphore_mem>>)
      %dma_wait3A_14 = arith.constant 0 : i32
      %dma_wait3A_15 = tpu.memref_slice %arg13[%mul3A_2, %dma_wait3A_14] : memref<10112x128xf32, #tpu.memory_space<vmem_shared>> -> memref<632x128xf32, #tpu.memory_space<vmem_shared>>
      %dma_wait3A_16 = arith.constant 0 : i32
      %dma_wait3A_17 = tpu.memref_slice %arg5[%mul3A_2, %dma_wait3A_16] : memref<10112x128xf32, #tpu.memory_space<hbm>> -> memref<632x128xf32, #tpu.memory_space<hbm>>
      tpu.wait_dma2 semaphore(%run_scoped3A : memref<!tpu.dma_semaphore, #tpu.memory_space<semaphore_mem>>) src(%dma_wait3A_17 : memref<632x128xf32, #tpu.memory_space<hbm>>) dst(%dma_wait3A_15 : memref<632x128xf32, #tpu.memory_space<vmem_shared>>)
      tpu.yield
    }) : () -> ()
    %barrier3A = arith.constant 0 : index
    tpu.barrier barrier_id(%barrier3A)
    %scan3A = arith.constant 0 : i32
    %scan3A_3 = arith.constant 0 : i32
    %scan3A_4 = arith.constant 40 : i32
    %scan3A_5 = arith.addi %scan3A_3, %scan3A_4 : i32
    %scan3A_6 = arith.constant 1 : i32
    scf.for %scan3A_11 = %scan3A_3 to %scan3A_5 step %scan3A_6  : i32 {
      %mul3A_12 = arith.constant 2 : i32
      %mul3A_13 = arith.muli %mul3A_12, %scan3A_11 : i32
      %add3A_14 = arith.constant 1 : i32
      %add3A_15 = arith.addi %mul3A_13, %add3A_14 : i32
      %eq3A = arith.constant 0 : i32
      %eq3A_16 = arith.cmpi eq, %scan3A_11, %eq3A : i32
      %convert_element_type3A = arith.extui %eq3A_16 : i1 to i32
      %cond3A = arith.constant 0 : i32
      %cond3A_17 = arith.cmpi ne, %convert_element_type3A, %cond3A : i32
      scf.if %cond3A_17 {
        %run_scoped3A = arith.constant 0 : i32
        "tpu.region"() ({
          %run_scoped3A_47 = tpu.sem_alloc : memref<!tpu.dma_semaphore, #tpu.memory_space<semaphore_mem>>
          %dma_start3A_48 = arith.constant 0 : i32
          %dma_start3A_49 = tpu.memref_slice %arg3[%add3A, %run_scoped3A, %dma_start3A_48] : memref<32x80x128xi32, #tpu.memory_space<hbm>> -> memref<1x1x128xi32, #tpu.memory_space<hbm>>
          %dma_start3A_50 = tpu.memref_squeeze %dma_start3A_49 : memref<1x1x128xi32, #tpu.memory_space<hbm>> -> memref<128xi32, #tpu.memory_space<hbm>>
          %dma_start3A_51 = arith.constant 0 : i32
          %dma_start3A_52 = tpu.memref_slice %arg3[%add3A, %run_scoped3A, %dma_start3A_51] : memref<32x80x128xi32, #tpu.memory_space<hbm>> -> memref<1x1x128xi32, #tpu.memory_space<hbm>>
          %dma_start3A_53 = tpu.memref_squeeze %dma_start3A_52 : memref<1x1x128xi32, #tpu.memory_space<hbm>> -> memref<128xi32, #tpu.memory_space<hbm>>
          tpu.enqueue_dma source(%dma_start3A_53 : memref<128xi32, #tpu.memory_space<hbm>>) target(%arg7 : memref<128xi32, #tpu.memory_space<vmem>>) target_semaphore(%run_scoped3A_47 : memref<!tpu.dma_semaphore, #tpu.memory_space<semaphore_mem>>)
          %dma_wait3A_54 = arith.constant 0 : i32
          %dma_wait3A_55 = tpu.memref_slice %arg3[%add3A, %run_scoped3A, %dma_wait3A_54] : memref<32x80x128xi32, #tpu.memory_space<hbm>> -> memref<1x1x128xi32, #tpu.memory_space<hbm>>
          %dma_wait3A_56 = tpu.memref_squeeze %dma_wait3A_55 : memref<1x1x128xi32, #tpu.memory_space<hbm>> -> memref<128xi32, #tpu.memory_space<hbm>>
          %dma_wait3A_57 = arith.constant 0 : i32
          %dma_wait3A_58 = tpu.memref_slice %arg3[%add3A, %run_scoped3A, %dma_wait3A_57] : memref<32x80x128xi32, #tpu.memory_space<hbm>> -> memref<1x1x128xi32, #tpu.memory_space<hbm>>
          %dma_wait3A_59 = tpu.memref_squeeze %dma_wait3A_58 : memref<1x1x128xi32, #tpu.memory_space<hbm>> -> memref<128xi32, #tpu.memory_space<hbm>>
          tpu.wait_dma2 semaphore(%run_scoped3A_47 : memref<!tpu.dma_semaphore, #tpu.memory_space<semaphore_mem>>) src(%dma_wait3A_59 : memref<128xi32, #tpu.memory_space<hbm>>) dst(%arg7 : memref<128xi32, #tpu.memory_space<vmem>>)
          tpu.yield
        }) : () -> ()
        %run_scoped3A_43 = arith.constant 0 : i32
        "tpu.region"() ({
          %run_scoped3A_47 = tpu.sem_alloc : memref<!tpu.dma_semaphore, #tpu.memory_space<semaphore_mem>>
          %dma_start3A_48 = arith.constant 0 : i32
          %dma_start3A_49 = tpu.memref_slice %arg4[%add3A, %run_scoped3A_43, %dma_start3A_48] : memref<32x80x128xi32, #tpu.memory_space<hbm>> -> memref<1x1x128xi32, #tpu.memory_space<hbm>>
          %dma_start3A_50 = tpu.memref_squeeze %dma_start3A_49 : memref<1x1x128xi32, #tpu.memory_space<hbm>> -> memref<128xi32, #tpu.memory_space<hbm>>
          %dma_start3A_51 = arith.constant 0 : i32
          %dma_start3A_52 = tpu.memref_slice %arg4[%add3A, %run_scoped3A_43, %dma_start3A_51] : memref<32x80x128xi32, #tpu.memory_space<hbm>> -> memref<1x1x128xi32, #tpu.memory_space<hbm>>
          %dma_start3A_53 = tpu.memref_squeeze %dma_start3A_52 : memref<1x1x128xi32, #tpu.memory_space<hbm>> -> memref<128xi32, #tpu.memory_space<hbm>>
          tpu.enqueue_dma source(%dma_start3A_53 : memref<128xi32, #tpu.memory_space<hbm>>) target(%arg9 : memref<128xi32, #tpu.memory_space<vmem>>) target_semaphore(%run_scoped3A_47 : memref<!tpu.dma_semaphore, #tpu.memory_space<semaphore_mem>>)
          %dma_wait3A_54 = arith.constant 0 : i32
          %dma_wait3A_55 = tpu.memref_slice %arg4[%add3A, %run_scoped3A_43, %dma_wait3A_54] : memref<32x80x128xi32, #tpu.memory_space<hbm>> -> memref<1x1x128xi32, #tpu.memory_space<hbm>>
          %dma_wait3A_56 = tpu.memref_squeeze %dma_wait3A_55 : memref<1x1x128xi32, #tpu.memory_space<hbm>> -> memref<128xi32, #tpu.memory_space<hbm>>
          %dma_wait3A_57 = arith.constant 0 : i32
          %dma_wait3A_58 = tpu.memref_slice %arg4[%add3A, %run_scoped3A_43, %dma_wait3A_57] : memref<32x80x128xi32, #tpu.memory_space<hbm>> -> memref<1x1x128xi32, #tpu.memory_space<hbm>>
          %dma_wait3A_59 = tpu.memref_squeeze %dma_wait3A_58 : memref<1x1x128xi32, #tpu.memory_space<hbm>> -> memref<128xi32, #tpu.memory_space<hbm>>
          tpu.wait_dma2 semaphore(%run_scoped3A_47 : memref<!tpu.dma_semaphore, #tpu.memory_space<semaphore_mem>>) src(%dma_wait3A_59 : memref<128xi32, #tpu.memory_space<hbm>>) dst(%arg9 : memref<128xi32, #tpu.memory_space<vmem>>)
          tpu.yield
        }) : () -> ()
        %dma_start3A_44 = arith.constant 0 : i32
        %dma_start3A_45 = arith.constant 0 : i32
        %dma_start3A_46 = tpu.memref_slice %arg2[%dma_start3A_44, %dma_start3A_45] : memref<10000x128xf32, #tpu.memory_space<hbm>> -> memref<10000x128xf32, #tpu.memory_space<hbm>>
        tpu.enqueue_indirect_dma source(%dma_start3A_46 : memref<10000x128xf32, #tpu.memory_space<hbm>>) target(%arg11 : memref<128x128xf32, #tpu.memory_space<vmem>>) offsets(%arg7 : memref<128xi32, #tpu.memory_space<vmem>>) semaphore(%arg14 : memref<!tpu.dma_semaphore, #tpu.memory_space<semaphore_mem>>)
      } else {
      }
      %dma_wait3A_18 = arith.constant 0 : i32
      %dma_wait3A_19 = arith.constant 0 : i32
      %dma_wait3A_20 = tpu.memref_slice %arg2[%dma_wait3A_18, %dma_wait3A_19] : memref<10000x128xf32, #tpu.memory_space<hbm>> -> memref<10000x128xf32, #tpu.memory_space<hbm>>
      tpu.wait_indirect_dma semaphore(%arg14 : memref<!tpu.dma_semaphore, #tpu.memory_space<semaphore_mem>>) src(%dma_wait3A_20 : memref<10000x128xf32, #tpu.memory_space<hbm>>) dst(%arg11 : memref<128x128xf32, #tpu.memory_space<vmem>>)
      %gt3A = arith.constant 0 : i32
      %gt3A_21 = arith.cmpi sgt, %scan3A_11, %gt3A : i32
      %convert_element_type3A_22 = arith.extui %gt3A_21 : i1 to i32
      %cond3A_23 = arith.constant 0 : i32
      %cond3A_24 = arith.cmpi ne, %convert_element_type3A_22, %cond3A_23 : i32
      scf.if %cond3A_24 {
        %dma_wait3A_43 = arith.constant 0 : i32
        %dma_wait3A_44 = arith.constant 0 : i32
        %dma_wait3A_45 = tpu.memref_slice %arg13[%dma_wait3A_43, %dma_wait3A_44] : memref<10112x128xf32, #tpu.memory_space<vmem_shared>> -> memref<10112x128xf32, #tpu.memory_space<vmem_shared>>
        tpu.wait_indirect_dma semaphore(%arg17 : memref<!tpu.dma_semaphore, #tpu.memory_space<semaphore_mem>>) src(%arg12 : memref<128x128xf32, #tpu.memory_space<vmem>>) dst(%dma_wait3A_45 : memref<10112x128xf32, #tpu.memory_space<vmem_shared>>)
      } else {
      }
      "tpu.region"() ({
        %run_scoped3A = tpu.sem_alloc : memref<!tpu.dma_semaphore, #tpu.memory_space<semaphore_mem>>
        %dma_start3A_43 = arith.constant 0 : i32
        %dma_start3A_44 = tpu.memref_slice %arg3[%add3A, %add3A_15, %dma_start3A_43] : memref<32x80x128xi32, #tpu.memory_space<hbm>> -> memref<1x1x128xi32, #tpu.memory_space<hbm>>
        %dma_start3A_45 = tpu.memref_squeeze %dma_start3A_44 : memref<1x1x128xi32, #tpu.memory_space<hbm>> -> memref<128xi32, #tpu.memory_space<hbm>>
        %dma_start3A_46 = arith.constant 0 : i32
        %dma_start3A_47 = tpu.memref_slice %arg3[%add3A, %add3A_15, %dma_start3A_46] : memref<32x80x128xi32, #tpu.memory_space<hbm>> -> memref<1x1x128xi32, #tpu.memory_space<hbm>>
        %dma_start3A_48 = tpu.memref_squeeze %dma_start3A_47 : memref<1x1x128xi32, #tpu.memory_space<hbm>> -> memref<128xi32, #tpu.memory_space<hbm>>
        tpu.enqueue_dma source(%dma_start3A_48 : memref<128xi32, #tpu.memory_space<hbm>>) target(%arg8 : memref<128xi32, #tpu.memory_space<vmem>>) target_semaphore(%run_scoped3A : memref<!tpu.dma_semaphore, #tpu.memory_space<semaphore_mem>>)
        %dma_wait3A_49 = arith.constant 0 : i32
        %dma_wait3A_50 = tpu.memref_slice %arg3[%add3A, %add3A_15, %dma_wait3A_49] : memref<32x80x128xi32, #tpu.memory_space<hbm>> -> memref<1x1x128xi32, #tpu.memory_space<hbm>>
        %dma_wait3A_51 = tpu.memref_squeeze %dma_wait3A_50 : memref<1x1x128xi32, #tpu.memory_space<hbm>> -> memref<128xi32, #tpu.memory_space<hbm>>
        %dma_wait3A_52 = arith.constant 0 : i32
        %dma_wait3A_53 = tpu.memref_slice %arg3[%add3A, %add3A_15, %dma_wait3A_52] : memref<32x80x128xi32, #tpu.memory_space<hbm>> -> memref<1x1x128xi32, #tpu.memory_space<hbm>>
        %dma_wait3A_54 = tpu.memref_squeeze %dma_wait3A_53 : memref<1x1x128xi32, #tpu.memory_space<hbm>> -> memref<128xi32, #tpu.memory_space<hbm>>
        tpu.wait_dma2 semaphore(%run_scoped3A : memref<!tpu.dma_semaphore, #tpu.memory_space<semaphore_mem>>) src(%dma_wait3A_54 : memref<128xi32, #tpu.memory_space<hbm>>) dst(%arg8 : memref<128xi32, #tpu.memory_space<vmem>>)
        tpu.yield
      }) : () -> ()
      "tpu.region"() ({
        %run_scoped3A = tpu.sem_alloc : memref<!tpu.dma_semaphore, #tpu.memory_space<semaphore_mem>>
        %dma_start3A_43 = arith.constant 0 : i32
        %dma_start3A_44 = tpu.memref_slice %arg4[%add3A, %add3A_15, %dma_start3A_43] : memref<32x80x128xi32, #tpu.memory_space<hbm>> -> memref<1x1x128xi32, #tpu.memory_space<hbm>>
        %dma_start3A_45 = tpu.memref_squeeze %dma_start3A_44 : memref<1x1x128xi32, #tpu.memory_space<hbm>> -> memref<128xi32, #tpu.memory_space<hbm>>
        %dma_start3A_46 = arith.constant 0 : i32
        %dma_start3A_47 = tpu.memref_slice %arg4[%add3A, %add3A_15, %dma_start3A_46] : memref<32x80x128xi32, #tpu.memory_space<hbm>> -> memref<1x1x128xi32, #tpu.memory_space<hbm>>
        %dma_start3A_48 = tpu.memref_squeeze %dma_start3A_47 : memref<1x1x128xi32, #tpu.memory_space<hbm>> -> memref<128xi32, #tpu.memory_space<hbm>>
        tpu.enqueue_dma source(%dma_start3A_48 : memref<128xi32, #tpu.memory_space<hbm>>) target(%arg10 : memref<128xi32, #tpu.memory_space<vmem>>) target_semaphore(%run_scoped3A : memref<!tpu.dma_semaphore, #tpu.memory_space<semaphore_mem>>)
        %dma_wait3A_49 = arith.constant 0 : i32
        %dma_wait3A_50 = tpu.memref_slice %arg4[%add3A, %add3A_15, %dma_wait3A_49] : memref<32x80x128xi32, #tpu.memory_space<hbm>> -> memref<1x1x128xi32, #tpu.memory_space<hbm>>
        %dma_wait3A_51 = tpu.memref_squeeze %dma_wait3A_50 : memref<1x1x128xi32, #tpu.memory_space<hbm>> -> memref<128xi32, #tpu.memory_space<hbm>>
        %dma_wait3A_52 = arith.constant 0 : i32
        %dma_wait3A_53 = tpu.memref_slice %arg4[%add3A, %add3A_15, %dma_wait3A_52] : memref<32x80x128xi32, #tpu.memory_space<hbm>> -> memref<1x1x128xi32, #tpu.memory_space<hbm>>
        %dma_wait3A_54 = tpu.memref_squeeze %dma_wait3A_53 : memref<1x1x128xi32, #tpu.memory_space<hbm>> -> memref<128xi32, #tpu.memory_space<hbm>>
        tpu.wait_dma2 semaphore(%run_scoped3A : memref<!tpu.dma_semaphore, #tpu.memory_space<semaphore_mem>>) src(%dma_wait3A_54 : memref<128xi32, #tpu.memory_space<hbm>>) dst(%arg10 : memref<128xi32, #tpu.memory_space<vmem>>)
        tpu.yield
      }) : () -> ()
      %dma_start3A = arith.constant 0 : i32
      %dma_start3A_25 = arith.constant 0 : i32
      %dma_start3A_26 = tpu.memref_slice %arg2[%dma_start3A, %dma_start3A_25] : memref<10000x128xf32, #tpu.memory_space<hbm>> -> memref<10000x128xf32, #tpu.memory_space<hbm>>
      tpu.enqueue_indirect_dma source(%dma_start3A_26 : memref<10000x128xf32, #tpu.memory_space<hbm>>) target(%arg12 : memref<128x128xf32, #tpu.memory_space<vmem>>) offsets(%arg8 : memref<128xi32, #tpu.memory_space<vmem>>) semaphore(%arg15 : memref<!tpu.dma_semaphore, #tpu.memory_space<semaphore_mem>>)
      %dma_start3A_27 = arith.constant 0 : i32
      %dma_start3A_28 = arith.constant 0 : i32
      %dma_start3A_29 = tpu.memref_slice %arg13[%dma_start3A_27, %dma_start3A_28] : memref<10112x128xf32, #tpu.memory_space<vmem_shared>> -> memref<10112x128xf32, #tpu.memory_space<vmem_shared>>
      tpu.enqueue_indirect_dma source(%arg11 : memref<128x128xf32, #tpu.memory_space<vmem>>) target(%dma_start3A_29 : memref<10112x128xf32, #tpu.memory_space<vmem_shared>>) offsets(%arg9 : memref<128xi32, #tpu.memory_space<vmem>>) semaphore(%arg16 : memref<!tpu.dma_semaphore, #tpu.memory_space<semaphore_mem>>) {add = true}
      %dma_wait3A_30 = arith.constant 0 : i32
      %dma_wait3A_31 = arith.constant 0 : i32
      %dma_wait3A_32 = tpu.memref_slice %arg2[%dma_wait3A_30, %dma_wait3A_31] : memref<10000x128xf32, #tpu.memory_space<hbm>> -> memref<10000x128xf32, #tpu.memory_space<hbm>>
      tpu.wait_indirect_dma semaphore(%arg15 : memref<!tpu.dma_semaphore, #tpu.memory_space<semaphore_mem>>) src(%dma_wait3A_32 : memref<10000x128xf32, #tpu.memory_space<hbm>>) dst(%arg12 : memref<128x128xf32, #tpu.memory_space<vmem>>)
      %dma_wait3A_33 = arith.constant 0 : i32
      %dma_wait3A_34 = arith.constant 0 : i32
      %dma_wait3A_35 = tpu.memref_slice %arg13[%dma_wait3A_33, %dma_wait3A_34] : memref<10112x128xf32, #tpu.memory_space<vmem_shared>> -> memref<10112x128xf32, #tpu.memory_space<vmem_shared>>
      tpu.wait_indirect_dma semaphore(%arg16 : memref<!tpu.dma_semaphore, #tpu.memory_space<semaphore_mem>>) src(%arg11 : memref<128x128xf32, #tpu.memory_space<vmem>>) dst(%dma_wait3A_35 : memref<10112x128xf32, #tpu.memory_space<vmem_shared>>)
      %lt3A = arith.constant 39 : i32
      %lt3A_36 = arith.cmpi slt, %scan3A_11, %lt3A : i32
      %convert_element_type3A_37 = arith.extui %lt3A_36 : i1 to i32
      %cond3A_38 = arith.constant 0 : i32
      %cond3A_39 = arith.cmpi ne, %convert_element_type3A_37, %cond3A_38 : i32
      scf.if %cond3A_39 {
        %add3A_43 = arith.constant 1 : i32
        %add3A_44 = arith.addi %add3A_15, %add3A_43 : i32
        "tpu.region"() ({
          %run_scoped3A = tpu.sem_alloc : memref<!tpu.dma_semaphore, #tpu.memory_space<semaphore_mem>>
          %dma_start3A_48 = arith.constant 0 : i32
          %dma_start3A_49 = tpu.memref_slice %arg3[%add3A, %add3A_44, %dma_start3A_48] : memref<32x80x128xi32, #tpu.memory_space<hbm>> -> memref<1x1x128xi32, #tpu.memory_space<hbm>>
          %dma_start3A_50 = tpu.memref_squeeze %dma_start3A_49 : memref<1x1x128xi32, #tpu.memory_space<hbm>> -> memref<128xi32, #tpu.memory_space<hbm>>
          %dma_start3A_51 = arith.constant 0 : i32
          %dma_start3A_52 = tpu.memref_slice %arg3[%add3A, %add3A_44, %dma_start3A_51] : memref<32x80x128xi32, #tpu.memory_space<hbm>> -> memref<1x1x128xi32, #tpu.memory_space<hbm>>
          %dma_start3A_53 = tpu.memref_squeeze %dma_start3A_52 : memref<1x1x128xi32, #tpu.memory_space<hbm>> -> memref<128xi32, #tpu.memory_space<hbm>>
          tpu.enqueue_dma source(%dma_start3A_53 : memref<128xi32, #tpu.memory_space<hbm>>) target(%arg7 : memref<128xi32, #tpu.memory_space<vmem>>) target_semaphore(%run_scoped3A : memref<!tpu.dma_semaphore, #tpu.memory_space<semaphore_mem>>)
          %dma_wait3A_54 = arith.constant 0 : i32
          %dma_wait3A_55 = tpu.memref_slice %arg3[%add3A, %add3A_44, %dma_wait3A_54] : memref<32x80x128xi32, #tpu.memory_space<hbm>> -> memref<1x1x128xi32, #tpu.memory_space<hbm>>
          %dma_wait3A_56 = tpu.memref_squeeze %dma_wait3A_55 : memref<1x1x128xi32, #tpu.memory_space<hbm>> -> memref<128xi32, #tpu.memory_space<hbm>>
          %dma_wait3A_57 = arith.constant 0 : i32
          %dma_wait3A_58 = tpu.memref_slice %arg3[%add3A, %add3A_44, %dma_wait3A_57] : memref<32x80x128xi32, #tpu.memory_space<hbm>> -> memref<1x1x128xi32, #tpu.memory_space<hbm>>
          %dma_wait3A_59 = tpu.memref_squeeze %dma_wait3A_58 : memref<1x1x128xi32, #tpu.memory_space<hbm>> -> memref<128xi32, #tpu.memory_space<hbm>>
          tpu.wait_dma2 semaphore(%run_scoped3A : memref<!tpu.dma_semaphore, #tpu.memory_space<semaphore_mem>>) src(%dma_wait3A_59 : memref<128xi32, #tpu.memory_space<hbm>>) dst(%arg7 : memref<128xi32, #tpu.memory_space<vmem>>)
          tpu.yield
        }) : () -> ()
        "tpu.region"() ({
          %run_scoped3A = tpu.sem_alloc : memref<!tpu.dma_semaphore, #tpu.memory_space<semaphore_mem>>
          %dma_start3A_48 = arith.constant 0 : i32
          %dma_start3A_49 = tpu.memref_slice %arg4[%add3A, %add3A_44, %dma_start3A_48] : memref<32x80x128xi32, #tpu.memory_space<hbm>> -> memref<1x1x128xi32, #tpu.memory_space<hbm>>
          %dma_start3A_50 = tpu.memref_squeeze %dma_start3A_49 : memref<1x1x128xi32, #tpu.memory_space<hbm>> -> memref<128xi32, #tpu.memory_space<hbm>>
          %dma_start3A_51 = arith.constant 0 : i32
          %dma_start3A_52 = tpu.memref_slice %arg4[%add3A, %add3A_44, %dma_start3A_51] : memref<32x80x128xi32, #tpu.memory_space<hbm>> -> memref<1x1x128xi32, #tpu.memory_space<hbm>>
          %dma_start3A_53 = tpu.memref_squeeze %dma_start3A_52 : memref<1x1x128xi32, #tpu.memory_space<hbm>> -> memref<128xi32, #tpu.memory_space<hbm>>
          tpu.enqueue_dma source(%dma_start3A_53 : memref<128xi32, #tpu.memory_space<hbm>>) target(%arg9 : memref<128xi32, #tpu.memory_space<vmem>>) target_semaphore(%run_scoped3A : memref<!tpu.dma_semaphore, #tpu.memory_space<semaphore_mem>>)
          %dma_wait3A_54 = arith.constant 0 : i32
          %dma_wait3A_55 = tpu.memref_slice %arg4[%add3A, %add3A_44, %dma_wait3A_54] : memref<32x80x128xi32, #tpu.memory_space<hbm>> -> memref<1x1x128xi32, #tpu.memory_space<hbm>>
          %dma_wait3A_56 = tpu.memref_squeeze %dma_wait3A_55 : memref<1x1x128xi32, #tpu.memory_space<hbm>> -> memref<128xi32, #tpu.memory_space<hbm>>
          %dma_wait3A_57 = arith.constant 0 : i32
          %dma_wait3A_58 = tpu.memref_slice %arg4[%add3A, %add3A_44, %dma_wait3A_57] : memref<32x80x128xi32, #tpu.memory_space<hbm>> -> memref<1x1x128xi32, #tpu.memory_space<hbm>>
          %dma_wait3A_59 = tpu.memref_squeeze %dma_wait3A_58 : memref<1x1x128xi32, #tpu.memory_space<hbm>> -> memref<128xi32, #tpu.memory_space<hbm>>
          tpu.wait_dma2 semaphore(%run_scoped3A : memref<!tpu.dma_semaphore, #tpu.memory_space<semaphore_mem>>) src(%dma_wait3A_59 : memref<128xi32, #tpu.memory_space<hbm>>) dst(%arg9 : memref<128xi32, #tpu.memory_space<vmem>>)
          tpu.yield
        }) : () -> ()
        %dma_start3A_45 = arith.constant 0 : i32
        %dma_start3A_46 = arith.constant 0 : i32
        %dma_start3A_47 = tpu.memref_slice %arg2[%dma_start3A_45, %dma_start3A_46] : memref<10000x128xf32, #tpu.memory_space<hbm>> -> memref<10000x128xf32, #tpu.memory_space<hbm>>
        tpu.enqueue_indirect_dma source(%dma_start3A_47 : memref<10000x128xf32, #tpu.memory_space<hbm>>) target(%arg11 : memref<128x128xf32, #tpu.memory_space<vmem>>) offsets(%arg7 : memref<128xi32, #tpu.memory_space<vmem>>) semaphore(%arg14 : memref<!tpu.dma_semaphore, #tpu.memory_space<semaphore_mem>>)
      } else {
      }
      %dma_start3A_40 = arith.constant 0 : i32
      %dma_start3A_41 = arith.constant 0 : i32
      %dma_start3A_42 = tpu.memref_slice %arg13[%dma_start3A_40, %dma_start3A_41] : memref<10112x128xf32, #tpu.memory_space<vmem_shared>> -> memref<10112x128xf32, #tpu.memory_space<vmem_shared>>
      tpu.enqueue_indirect_dma source(%arg12 : memref<128x128xf32, #tpu.memory_space<vmem>>) target(%dma_start3A_42 : memref<10112x128xf32, #tpu.memory_space<vmem_shared>>) offsets(%arg10 : memref<128xi32, #tpu.memory_space<vmem>>) semaphore(%arg17 : memref<!tpu.dma_semaphore, #tpu.memory_space<semaphore_mem>>) {add = true}
    }
    %scan3A_7 = arith.constant 40 : i32
    %dma_wait3A = arith.constant 0 : i32
    %dma_wait3A_8 = arith.constant 0 : i32
    %dma_wait3A_9 = tpu.memref_slice %arg13[%dma_wait3A, %dma_wait3A_8] : memref<10112x128xf32, #tpu.memory_space<vmem_shared>> -> memref<10112x128xf32, #tpu.memory_space<vmem_shared>>
    tpu.wait_indirect_dma semaphore(%arg17 : memref<!tpu.dma_semaphore, #tpu.memory_space<semaphore_mem>>) src(%arg12 : memref<128x128xf32, #tpu.memory_space<vmem>>) dst(%dma_wait3A_9 : memref<10112x128xf32, #tpu.memory_space<vmem_shared>>)
    %barrier3A_10 = arith.constant 0 : index
    tpu.barrier barrier_id(%barrier3A_10)
    "tpu.region"() ({
      %run_scoped3A = tpu.sem_alloc : memref<!tpu.dma_semaphore, #tpu.memory_space<semaphore_mem>>
      %dma_start3A = arith.constant 0 : i32
      %dma_start3A_11 = tpu.memref_slice %arg6[%arg0, %mul3A_2, %dma_start3A] : memref<2x10112x128xf32, #tpu.memory_space<hbm>> -> memref<1x632x128xf32, #tpu.memory_space<hbm>>
      %dma_start3A_12 = tpu.memref_squeeze %dma_start3A_11 : memref<1x632x128xf32, #tpu.memory_space<hbm>> -> memref<632x128xf32, #tpu.memory_space<hbm>>
      %dma_start3A_13 = arith.constant 0 : i32
      %dma_start3A_14 = tpu.memref_slice %arg13[%mul3A_2, %dma_start3A_13] : memref<10112x128xf32, #tpu.memory_space<vmem_shared>> -> memref<632x128xf32, #tpu.memory_space<vmem_shared>>
      tpu.enqueue_dma source(%dma_start3A_14 : memref<632x128xf32, #tpu.memory_space<vmem_shared>>) target(%dma_start3A_12 : memref<632x128xf32, #tpu.memory_space<hbm>>) target_semaphore(%run_scoped3A : memref<!tpu.dma_semaphore, #tpu.memory_space<semaphore_mem>>)
      %dma_wait3A_15 = arith.constant 0 : i32
      %dma_wait3A_16 = tpu.memref_slice %arg6[%arg0, %mul3A_2, %dma_wait3A_15] : memref<2x10112x128xf32, #tpu.memory_space<hbm>> -> memref<1x632x128xf32, #tpu.memory_space<hbm>>
      %dma_wait3A_17 = tpu.memref_squeeze %dma_wait3A_16 : memref<1x632x128xf32, #tpu.memory_space<hbm>> -> memref<632x128xf32, #tpu.memory_space<hbm>>
      %dma_wait3A_18 = arith.constant 0 : i32
      %dma_wait3A_19 = tpu.memref_slice %arg13[%mul3A_2, %dma_wait3A_18] : memref<10112x128xf32, #tpu.memory_space<vmem_shared>> -> memref<632x128xf32, #tpu.memory_space<vmem_shared>>
      tpu.wait_dma2 semaphore(%run_scoped3A : memref<!tpu.dma_semaphore, #tpu.memory_space<semaphore_mem>>) src(%dma_wait3A_19 : memref<632x128xf32, #tpu.memory_space<vmem_shared>>) dst(%dma_wait3A_17 : memref<632x128xf32, #tpu.memory_space<hbm>>)
      tpu.yield
    }) : () -> ()
    return
  }
}

#map = affine_map<(d0, d1) -> (0, 0)>
#map1 = affine_map<(d0, d1) -> (0, 0, 0)>
module attributes {stable_mosaic.version = 14 : i64} {
  func.func @_sc_agg_body(%arg0: i32, %arg1: i32, %arg2: memref<10000x128xf32, #tpu.memory_space<hbm>>, %arg3: memref<32x80x128xi32, #tpu.memory_space<hbm>>, %arg4: memref<32x80x128xi32, #tpu.memory_space<hbm>>, %arg5: memref<10112x128xf32, #tpu.memory_space<hbm>>, %arg6: memref<2x10112x128xf32, #tpu.memory_space<hbm>>, %arg7: memref<128xi32, #tpu.memory_space<vmem>>, %arg8: memref<128xi32, #tpu.memory_space<vmem>>, %arg9: memref<128xi32, #tpu.memory_space<vmem>>, %arg10: memref<128xi32, #tpu.memory_space<vmem>>, %arg11: memref<128x128xf32, #tpu.memory_space<vmem>>, %arg12: memref<128x128xf32, #tpu.memory_space<vmem>>, %arg13: memref<10112x128xf32, #tpu.memory_space<vmem_shared>>, %arg14: memref<!tpu.dma_semaphore, #tpu.memory_space<semaphore_mem>>, %arg15: memref<!tpu.dma_semaphore, #tpu.memory_space<semaphore_mem>>, %arg16: memref<!tpu.dma_semaphore, #tpu.memory_space<semaphore_mem>>, %arg17: memref<!tpu.dma_semaphore, #tpu.memory_space<semaphore_mem>>) attributes {dimension_semantics = [#tpu.dimension_semantics<core_parallel>, #tpu.dimension_semantics<subcore_parallel>], iteration_bounds = array<i64: 2, 16>, scalar_prefetch = 0 : i64, scratch_operands = 11 : i64, tpu.core_type = #tpu.core_type<sc_vector_subcore>, window_params = [{transform_indices = #map}, {transform_indices = #map1}, {transform_indices = #map1}, {transform_indices = #map}, {transform_indices = #map1}]} {
    %mul3A = arith.constant 2 : i32
    %mul3A_0 = arith.muli %arg1, %mul3A : i32
    %add3A = arith.addi %mul3A_0, %arg0 : i32
    %mul3A_1 = arith.constant 632 : i32
    %mul3A_2 = arith.muli %arg1, %mul3A_1 : i32
    "tpu.region"() ({
      %run_scoped3A = tpu.sem_alloc : memref<!tpu.dma_semaphore, #tpu.memory_space<semaphore_mem>>
      %dma_start3A = arith.constant 0 : i32
      %dma_start3A_11 = tpu.memref_slice %arg13[%mul3A_2, %dma_start3A] : memref<10112x128xf32, #tpu.memory_space<vmem_shared>> -> memref<632x128xf32, #tpu.memory_space<vmem_shared>>
      %dma_start3A_12 = arith.constant 0 : i32
      %dma_start3A_13 = tpu.memref_slice %arg5[%mul3A_2, %dma_start3A_12] : memref<10112x128xf32, #tpu.memory_space<hbm>> -> memref<632x128xf32, #tpu.memory_space<hbm>>
      tpu.enqueue_dma source(%dma_start3A_13 : memref<632x128xf32, #tpu.memory_space<hbm>>) target(%dma_start3A_11 : memref<632x128xf32, #tpu.memory_space<vmem_shared>>) target_semaphore(%run_scoped3A : memref<!tpu.dma_semaphore, #tpu.memory_space<semaphore_mem>>)
      %dma_wait3A_14 = arith.constant 0 : i32
      %dma_wait3A_15 = tpu.memref_slice %arg13[%mul3A_2, %dma_wait3A_14] : memref<10112x128xf32, #tpu.memory_space<vmem_shared>> -> memref<632x128xf32, #tpu.memory_space<vmem_shared>>
      %dma_wait3A_16 = arith.constant 0 : i32
      %dma_wait3A_17 = tpu.memref_slice %arg5[%mul3A_2, %dma_wait3A_16] : memref<10112x128xf32, #tpu.memory_space<hbm>> -> memref<632x128xf32, #tpu.memory_space<hbm>>
      tpu.wait_dma2 semaphore(%run_scoped3A : memref<!tpu.dma_semaphore, #tpu.memory_space<semaphore_mem>>) src(%dma_wait3A_17 : memref<632x128xf32, #tpu.memory_space<hbm>>) dst(%dma_wait3A_15 : memref<632x128xf32, #tpu.memory_space<vmem_shared>>)
      tpu.yield
    }) : () -> ()
    %barrier3A = arith.constant 0 : index
    tpu.barrier barrier_id(%barrier3A)
    %scan3A = arith.constant 0 : i32
    %scan3A_3 = arith.constant 0 : i32
    %scan3A_4 = arith.constant 40 : i32
    %scan3A_5 = arith.addi %scan3A_3, %scan3A_4 : i32
    %scan3A_6 = arith.constant 1 : i32
    scf.for %scan3A_11 = %scan3A_3 to %scan3A_5 step %scan3A_6  : i32 {
      %mul3A_12 = arith.constant 2 : i32
      %mul3A_13 = arith.muli %mul3A_12, %scan3A_11 : i32
      %add3A_14 = arith.constant 1 : i32
      %add3A_15 = arith.addi %mul3A_13, %add3A_14 : i32
      %eq3A = arith.constant 0 : i32
      %eq3A_16 = arith.cmpi eq, %scan3A_11, %eq3A : i32
      %convert_element_type3A = arith.extui %eq3A_16 : i1 to i32
      %cond3A = arith.constant 0 : i32
      %cond3A_17 = arith.cmpi ne, %convert_element_type3A, %cond3A : i32
      scf.if %cond3A_17 {
        %run_scoped3A = arith.constant 0 : i32
        "tpu.region"() ({
          %run_scoped3A_47 = tpu.sem_alloc : memref<!tpu.dma_semaphore, #tpu.memory_space<semaphore_mem>>
          %dma_start3A_48 = arith.constant 0 : i32
          %dma_start3A_49 = tpu.memref_slice %arg3[%add3A, %run_scoped3A, %dma_start3A_48] : memref<32x80x128xi32, #tpu.memory_space<hbm>> -> memref<1x1x128xi32, #tpu.memory_space<hbm>>
          %dma_start3A_50 = tpu.memref_squeeze %dma_start3A_49 : memref<1x1x128xi32, #tpu.memory_space<hbm>> -> memref<128xi32, #tpu.memory_space<hbm>>
          %dma_start3A_51 = arith.constant 0 : i32
          %dma_start3A_52 = tpu.memref_slice %arg3[%add3A, %run_scoped3A, %dma_start3A_51] : memref<32x80x128xi32, #tpu.memory_space<hbm>> -> memref<1x1x128xi32, #tpu.memory_space<hbm>>
          %dma_start3A_53 = tpu.memref_squeeze %dma_start3A_52 : memref<1x1x128xi32, #tpu.memory_space<hbm>> -> memref<128xi32, #tpu.memory_space<hbm>>
          tpu.enqueue_dma source(%dma_start3A_53 : memref<128xi32, #tpu.memory_space<hbm>>) target(%arg7 : memref<128xi32, #tpu.memory_space<vmem>>) target_semaphore(%run_scoped3A_47 : memref<!tpu.dma_semaphore, #tpu.memory_space<semaphore_mem>>)
          %dma_wait3A_54 = arith.constant 0 : i32
          %dma_wait3A_55 = tpu.memref_slice %arg3[%add3A, %run_scoped3A, %dma_wait3A_54] : memref<32x80x128xi32, #tpu.memory_space<hbm>> -> memref<1x1x128xi32, #tpu.memory_space<hbm>>
          %dma_wait3A_56 = tpu.memref_squeeze %dma_wait3A_55 : memref<1x1x128xi32, #tpu.memory_space<hbm>> -> memref<128xi32, #tpu.memory_space<hbm>>
          %dma_wait3A_57 = arith.constant 0 : i32
          %dma_wait3A_58 = tpu.memref_slice %arg3[%add3A, %run_scoped3A, %dma_wait3A_57] : memref<32x80x128xi32, #tpu.memory_space<hbm>> -> memref<1x1x128xi32, #tpu.memory_space<hbm>>
          %dma_wait3A_59 = tpu.memref_squeeze %dma_wait3A_58 : memref<1x1x128xi32, #tpu.memory_space<hbm>> -> memref<128xi32, #tpu.memory_space<hbm>>
          tpu.wait_dma2 semaphore(%run_scoped3A_47 : memref<!tpu.dma_semaphore, #tpu.memory_space<semaphore_mem>>) src(%dma_wait3A_59 : memref<128xi32, #tpu.memory_space<hbm>>) dst(%arg7 : memref<128xi32, #tpu.memory_space<vmem>>)
          tpu.yield
        }) : () -> ()
        %run_scoped3A_43 = arith.constant 0 : i32
        "tpu.region"() ({
          %run_scoped3A_47 = tpu.sem_alloc : memref<!tpu.dma_semaphore, #tpu.memory_space<semaphore_mem>>
          %dma_start3A_48 = arith.constant 0 : i32
          %dma_start3A_49 = tpu.memref_slice %arg4[%add3A, %run_scoped3A_43, %dma_start3A_48] : memref<32x80x128xi32, #tpu.memory_space<hbm>> -> memref<1x1x128xi32, #tpu.memory_space<hbm>>
          %dma_start3A_50 = tpu.memref_squeeze %dma_start3A_49 : memref<1x1x128xi32, #tpu.memory_space<hbm>> -> memref<128xi32, #tpu.memory_space<hbm>>
          %dma_start3A_51 = arith.constant 0 : i32
          %dma_start3A_52 = tpu.memref_slice %arg4[%add3A, %run_scoped3A_43, %dma_start3A_51] : memref<32x80x128xi32, #tpu.memory_space<hbm>> -> memref<1x1x128xi32, #tpu.memory_space<hbm>>
          %dma_start3A_53 = tpu.memref_squeeze %dma_start3A_52 : memref<1x1x128xi32, #tpu.memory_space<hbm>> -> memref<128xi32, #tpu.memory_space<hbm>>
          tpu.enqueue_dma source(%dma_start3A_53 : memref<128xi32, #tpu.memory_space<hbm>>) target(%arg9 : memref<128xi32, #tpu.memory_space<vmem>>) target_semaphore(%run_scoped3A_47 : memref<!tpu.dma_semaphore, #tpu.memory_space<semaphore_mem>>)
          %dma_wait3A_54 = arith.constant 0 : i32
          %dma_wait3A_55 = tpu.memref_slice %arg4[%add3A, %run_scoped3A_43, %dma_wait3A_54] : memref<32x80x128xi32, #tpu.memory_space<hbm>> -> memref<1x1x128xi32, #tpu.memory_space<hbm>>
          %dma_wait3A_56 = tpu.memref_squeeze %dma_wait3A_55 : memref<1x1x128xi32, #tpu.memory_space<hbm>> -> memref<128xi32, #tpu.memory_space<hbm>>
          %dma_wait3A_57 = arith.constant 0 : i32
          %dma_wait3A_58 = tpu.memref_slice %arg4[%add3A, %run_scoped3A_43, %dma_wait3A_57] : memref<32x80x128xi32, #tpu.memory_space<hbm>> -> memref<1x1x128xi32, #tpu.memory_space<hbm>>
          %dma_wait3A_59 = tpu.memref_squeeze %dma_wait3A_58 : memref<1x1x128xi32, #tpu.memory_space<hbm>> -> memref<128xi32, #tpu.memory_space<hbm>>
          tpu.wait_dma2 semaphore(%run_scoped3A_47 : memref<!tpu.dma_semaphore, #tpu.memory_space<semaphore_mem>>) src(%dma_wait3A_59 : memref<128xi32, #tpu.memory_space<hbm>>) dst(%arg9 : memref<128xi32, #tpu.memory_space<vmem>>)
          tpu.yield
        }) : () -> ()
        %dma_start3A_44 = arith.constant 0 : i32
        %dma_start3A_45 = arith.constant 0 : i32
        %dma_start3A_46 = tpu.memref_slice %arg2[%dma_start3A_44, %dma_start3A_45] : memref<10000x128xf32, #tpu.memory_space<hbm>> -> memref<10000x128xf32, #tpu.memory_space<hbm>>
        tpu.enqueue_indirect_dma source(%dma_start3A_46 : memref<10000x128xf32, #tpu.memory_space<hbm>>) target(%arg11 : memref<128x128xf32, #tpu.memory_space<vmem>>) offsets(%arg7 : memref<128xi32, #tpu.memory_space<vmem>>) semaphore(%arg14 : memref<!tpu.dma_semaphore, #tpu.memory_space<semaphore_mem>>)
      } else {
      }
      %dma_wait3A_18 = arith.constant 0 : i32
      %dma_wait3A_19 = arith.constant 0 : i32
      %dma_wait3A_20 = tpu.memref_slice %arg2[%dma_wait3A_18, %dma_wait3A_19] : memref<10000x128xf32, #tpu.memory_space<hbm>> -> memref<10000x128xf32, #tpu.memory_space<hbm>>
      tpu.wait_indirect_dma semaphore(%arg14 : memref<!tpu.dma_semaphore, #tpu.memory_space<semaphore_mem>>) src(%dma_wait3A_20 : memref<10000x128xf32, #tpu.memory_space<hbm>>) dst(%arg11 : memref<128x128xf32, #tpu.memory_space<vmem>>)
      %gt3A = arith.constant 0 : i32
      %gt3A_21 = arith.cmpi sgt, %scan3A_11, %gt3A : i32
      %convert_element_type3A_22 = arith.extui %gt3A_21 : i1 to i32
      %cond3A_23 = arith.constant 0 : i32
      %cond3A_24 = arith.cmpi ne, %convert_element_type3A_22, %cond3A_23 : i32
      scf.if %cond3A_24 {
        %dma_wait3A_43 = arith.constant 0 : i32
        %dma_wait3A_44 = arith.constant 0 : i32
        %dma_wait3A_45 = tpu.memref_slice %arg13[%dma_wait3A_43, %dma_wait3A_44] : memref<10112x128xf32, #tpu.memory_space<vmem_shared>> -> memref<10112x128xf32, #tpu.memory_space<vmem_shared>>
        tpu.wait_indirect_dma semaphore(%arg17 : memref<!tpu.dma_semaphore, #tpu.memory_space<semaphore_mem>>) src(%arg12 : memref<128x128xf32, #tpu.memory_space<vmem>>) dst(%dma_wait3A_45 : memref<10112x128xf32, #tpu.memory_space<vmem_shared>>)
      } else {
      }
      "tpu.region"() ({
        %run_scoped3A = tpu.sem_alloc : memref<!tpu.dma_semaphore, #tpu.memory_space<semaphore_mem>>
        %dma_start3A_43 = arith.constant 0 : i32
        %dma_start3A_44 = tpu.memref_slice %arg3[%add3A, %add3A_15, %dma_start3A_43] : memref<32x80x128xi32, #tpu.memory_space<hbm>> -> memref<1x1x128xi32, #tpu.memory_space<hbm>>
        %dma_start3A_45 = tpu.memref_squeeze %dma_start3A_44 : memref<1x1x128xi32, #tpu.memory_space<hbm>> -> memref<128xi32, #tpu.memory_space<hbm>>
        %dma_start3A_46 = arith.constant 0 : i32
        %dma_start3A_47 = tpu.memref_slice %arg3[%add3A, %add3A_15, %dma_start3A_46] : memref<32x80x128xi32, #tpu.memory_space<hbm>> -> memref<1x1x128xi32, #tpu.memory_space<hbm>>
        %dma_start3A_48 = tpu.memref_squeeze %dma_start3A_47 : memref<1x1x128xi32, #tpu.memory_space<hbm>> -> memref<128xi32, #tpu.memory_space<hbm>>
        tpu.enqueue_dma source(%dma_start3A_48 : memref<128xi32, #tpu.memory_space<hbm>>) target(%arg8 : memref<128xi32, #tpu.memory_space<vmem>>) target_semaphore(%run_scoped3A : memref<!tpu.dma_semaphore, #tpu.memory_space<semaphore_mem>>)
        %dma_wait3A_49 = arith.constant 0 : i32
        %dma_wait3A_50 = tpu.memref_slice %arg3[%add3A, %add3A_15, %dma_wait3A_49] : memref<32x80x128xi32, #tpu.memory_space<hbm>> -> memref<1x1x128xi32, #tpu.memory_space<hbm>>
        %dma_wait3A_51 = tpu.memref_squeeze %dma_wait3A_50 : memref<1x1x128xi32, #tpu.memory_space<hbm>> -> memref<128xi32, #tpu.memory_space<hbm>>
        %dma_wait3A_52 = arith.constant 0 : i32
        %dma_wait3A_53 = tpu.memref_slice %arg3[%add3A, %add3A_15, %dma_wait3A_52] : memref<32x80x128xi32, #tpu.memory_space<hbm>> -> memref<1x1x128xi32, #tpu.memory_space<hbm>>
        %dma_wait3A_54 = tpu.memref_squeeze %dma_wait3A_53 : memref<1x1x128xi32, #tpu.memory_space<hbm>> -> memref<128xi32, #tpu.memory_space<hbm>>
        tpu.wait_dma2 semaphore(%run_scoped3A : memref<!tpu.dma_semaphore, #tpu.memory_space<semaphore_mem>>) src(%dma_wait3A_54 : memref<128xi32, #tpu.memory_space<hbm>>) dst(%arg8 : memref<128xi32, #tpu.memory_space<vmem>>)
        tpu.yield
      }) : () -> ()
      "tpu.region"() ({
        %run_scoped3A = tpu.sem_alloc : memref<!tpu.dma_semaphore, #tpu.memory_space<semaphore_mem>>
        %dma_start3A_43 = arith.constant 0 : i32
        %dma_start3A_44 = tpu.memref_slice %arg4[%add3A, %add3A_15, %dma_start3A_43] : memref<32x80x128xi32, #tpu.memory_space<hbm>> -> memref<1x1x128xi32, #tpu.memory_space<hbm>>
        %dma_start3A_45 = tpu.memref_squeeze %dma_start3A_44 : memref<1x1x128xi32, #tpu.memory_space<hbm>> -> memref<128xi32, #tpu.memory_space<hbm>>
        %dma_start3A_46 = arith.constant 0 : i32
        %dma_start3A_47 = tpu.memref_slice %arg4[%add3A, %add3A_15, %dma_start3A_46] : memref<32x80x128xi32, #tpu.memory_space<hbm>> -> memref<1x1x128xi32, #tpu.memory_space<hbm>>
        %dma_start3A_48 = tpu.memref_squeeze %dma_start3A_47 : memref<1x1x128xi32, #tpu.memory_space<hbm>> -> memref<128xi32, #tpu.memory_space<hbm>>
        tpu.enqueue_dma source(%dma_start3A_48 : memref<128xi32, #tpu.memory_space<hbm>>) target(%arg10 : memref<128xi32, #tpu.memory_space<vmem>>) target_semaphore(%run_scoped3A : memref<!tpu.dma_semaphore, #tpu.memory_space<semaphore_mem>>)
        %dma_wait3A_49 = arith.constant 0 : i32
        %dma_wait3A_50 = tpu.memref_slice %arg4[%add3A, %add3A_15, %dma_wait3A_49] : memref<32x80x128xi32, #tpu.memory_space<hbm>> -> memref<1x1x128xi32, #tpu.memory_space<hbm>>
        %dma_wait3A_51 = tpu.memref_squeeze %dma_wait3A_50 : memref<1x1x128xi32, #tpu.memory_space<hbm>> -> memref<128xi32, #tpu.memory_space<hbm>>
        %dma_wait3A_52 = arith.constant 0 : i32
        %dma_wait3A_53 = tpu.memref_slice %arg4[%add3A, %add3A_15, %dma_wait3A_52] : memref<32x80x128xi32, #tpu.memory_space<hbm>> -> memref<1x1x128xi32, #tpu.memory_space<hbm>>
        %dma_wait3A_54 = tpu.memref_squeeze %dma_wait3A_53 : memref<1x1x128xi32, #tpu.memory_space<hbm>> -> memref<128xi32, #tpu.memory_space<hbm>>
        tpu.wait_dma2 semaphore(%run_scoped3A : memref<!tpu.dma_semaphore, #tpu.memory_space<semaphore_mem>>) src(%dma_wait3A_54 : memref<128xi32, #tpu.memory_space<hbm>>) dst(%arg10 : memref<128xi32, #tpu.memory_space<vmem>>)
        tpu.yield
      }) : () -> ()
      %dma_start3A = arith.constant 0 : i32
      %dma_start3A_25 = arith.constant 0 : i32
      %dma_start3A_26 = tpu.memref_slice %arg2[%dma_start3A, %dma_start3A_25] : memref<10000x128xf32, #tpu.memory_space<hbm>> -> memref<10000x128xf32, #tpu.memory_space<hbm>>
      tpu.enqueue_indirect_dma source(%dma_start3A_26 : memref<10000x128xf32, #tpu.memory_space<hbm>>) target(%arg12 : memref<128x128xf32, #tpu.memory_space<vmem>>) offsets(%arg8 : memref<128xi32, #tpu.memory_space<vmem>>) semaphore(%arg15 : memref<!tpu.dma_semaphore, #tpu.memory_space<semaphore_mem>>)
      %dma_start3A_27 = arith.constant 0 : i32
      %dma_start3A_28 = arith.constant 0 : i32
      %dma_start3A_29 = tpu.memref_slice %arg13[%dma_start3A_27, %dma_start3A_28] : memref<10112x128xf32, #tpu.memory_space<vmem_shared>> -> memref<10112x128xf32, #tpu.memory_space<vmem_shared>>
      tpu.enqueue_indirect_dma source(%arg11 : memref<128x128xf32, #tpu.memory_space<vmem>>) target(%dma_start3A_29 : memref<10112x128xf32, #tpu.memory_space<vmem_shared>>) offsets(%arg9 : memref<128xi32, #tpu.memory_space<vmem>>) semaphore(%arg16 : memref<!tpu.dma_semaphore, #tpu.memory_space<semaphore_mem>>) {add = true}
      %dma_wait3A_30 = arith.constant 0 : i32
      %dma_wait3A_31 = arith.constant 0 : i32
      %dma_wait3A_32 = tpu.memref_slice %arg2[%dma_wait3A_30, %dma_wait3A_31] : memref<10000x128xf32, #tpu.memory_space<hbm>> -> memref<10000x128xf32, #tpu.memory_space<hbm>>
      tpu.wait_indirect_dma semaphore(%arg15 : memref<!tpu.dma_semaphore, #tpu.memory_space<semaphore_mem>>) src(%dma_wait3A_32 : memref<10000x128xf32, #tpu.memory_space<hbm>>) dst(%arg12 : memref<128x128xf32, #tpu.memory_space<vmem>>)
      %dma_wait3A_33 = arith.constant 0 : i32
      %dma_wait3A_34 = arith.constant 0 : i32
      %dma_wait3A_35 = tpu.memref_slice %arg13[%dma_wait3A_33, %dma_wait3A_34] : memref<10112x128xf32, #tpu.memory_space<vmem_shared>> -> memref<10112x128xf32, #tpu.memory_space<vmem_shared>>
      tpu.wait_indirect_dma semaphore(%arg16 : memref<!tpu.dma_semaphore, #tpu.memory_space<semaphore_mem>>) src(%arg11 : memref<128x128xf32, #tpu.memory_space<vmem>>) dst(%dma_wait3A_35 : memref<10112x128xf32, #tpu.memory_space<vmem_shared>>)
      %lt3A = arith.constant 39 : i32
      %lt3A_36 = arith.cmpi slt, %scan3A_11, %lt3A : i32
      %convert_element_type3A_37 = arith.extui %lt3A_36 : i1 to i32
      %cond3A_38 = arith.constant 0 : i32
      %cond3A_39 = arith.cmpi ne, %convert_element_type3A_37, %cond3A_38 : i32
      scf.if %cond3A_39 {
        %add3A_43 = arith.constant 1 : i32
        %add3A_44 = arith.addi %add3A_15, %add3A_43 : i32
        "tpu.region"() ({
          %run_scoped3A = tpu.sem_alloc : memref<!tpu.dma_semaphore, #tpu.memory_space<semaphore_mem>>
          %dma_start3A_48 = arith.constant 0 : i32
          %dma_start3A_49 = tpu.memref_slice %arg3[%add3A, %add3A_44, %dma_start3A_48] : memref<32x80x128xi32, #tpu.memory_space<hbm>> -> memref<1x1x128xi32, #tpu.memory_space<hbm>>
          %dma_start3A_50 = tpu.memref_squeeze %dma_start3A_49 : memref<1x1x128xi32, #tpu.memory_space<hbm>> -> memref<128xi32, #tpu.memory_space<hbm>>
          %dma_start3A_51 = arith.constant 0 : i32
          %dma_start3A_52 = tpu.memref_slice %arg3[%add3A, %add3A_44, %dma_start3A_51] : memref<32x80x128xi32, #tpu.memory_space<hbm>> -> memref<1x1x128xi32, #tpu.memory_space<hbm>>
          %dma_start3A_53 = tpu.memref_squeeze %dma_start3A_52 : memref<1x1x128xi32, #tpu.memory_space<hbm>> -> memref<128xi32, #tpu.memory_space<hbm>>
          tpu.enqueue_dma source(%dma_start3A_53 : memref<128xi32, #tpu.memory_space<hbm>>) target(%arg7 : memref<128xi32, #tpu.memory_space<vmem>>) target_semaphore(%run_scoped3A : memref<!tpu.dma_semaphore, #tpu.memory_space<semaphore_mem>>)
          %dma_wait3A_54 = arith.constant 0 : i32
          %dma_wait3A_55 = tpu.memref_slice %arg3[%add3A, %add3A_44, %dma_wait3A_54] : memref<32x80x128xi32, #tpu.memory_space<hbm>> -> memref<1x1x128xi32, #tpu.memory_space<hbm>>
          %dma_wait3A_56 = tpu.memref_squeeze %dma_wait3A_55 : memref<1x1x128xi32, #tpu.memory_space<hbm>> -> memref<128xi32, #tpu.memory_space<hbm>>
          %dma_wait3A_57 = arith.constant 0 : i32
          %dma_wait3A_58 = tpu.memref_slice %arg3[%add3A, %add3A_44, %dma_wait3A_57] : memref<32x80x128xi32, #tpu.memory_space<hbm>> -> memref<1x1x128xi32, #tpu.memory_space<hbm>>
          %dma_wait3A_59 = tpu.memref_squeeze %dma_wait3A_58 : memref<1x1x128xi32, #tpu.memory_space<hbm>> -> memref<128xi32, #tpu.memory_space<hbm>>
          tpu.wait_dma2 semaphore(%run_scoped3A : memref<!tpu.dma_semaphore, #tpu.memory_space<semaphore_mem>>) src(%dma_wait3A_59 : memref<128xi32, #tpu.memory_space<hbm>>) dst(%arg7 : memref<128xi32, #tpu.memory_space<vmem>>)
          tpu.yield
        }) : () -> ()
        "tpu.region"() ({
          %run_scoped3A = tpu.sem_alloc : memref<!tpu.dma_semaphore, #tpu.memory_space<semaphore_mem>>
          %dma_start3A_48 = arith.constant 0 : i32
          %dma_start3A_49 = tpu.memref_slice %arg4[%add3A, %add3A_44, %dma_start3A_48] : memref<32x80x128xi32, #tpu.memory_space<hbm>> -> memref<1x1x128xi32, #tpu.memory_space<hbm>>
          %dma_start3A_50 = tpu.memref_squeeze %dma_start3A_49 : memref<1x1x128xi32, #tpu.memory_space<hbm>> -> memref<128xi32, #tpu.memory_space<hbm>>
          %dma_start3A_51 = arith.constant 0 : i32
          %dma_start3A_52 = tpu.memref_slice %arg4[%add3A, %add3A_44, %dma_start3A_51] : memref<32x80x128xi32, #tpu.memory_space<hbm>> -> memref<1x1x128xi32, #tpu.memory_space<hbm>>
          %dma_start3A_53 = tpu.memref_squeeze %dma_start3A_52 : memref<1x1x128xi32, #tpu.memory_space<hbm>> -> memref<128xi32, #tpu.memory_space<hbm>>
          tpu.enqueue_dma source(%dma_start3A_53 : memref<128xi32, #tpu.memory_space<hbm>>) target(%arg9 : memref<128xi32, #tpu.memory_space<vmem>>) target_semaphore(%run_scoped3A : memref<!tpu.dma_semaphore, #tpu.memory_space<semaphore_mem>>)
          %dma_wait3A_54 = arith.constant 0 : i32
          %dma_wait3A_55 = tpu.memref_slice %arg4[%add3A, %add3A_44, %dma_wait3A_54] : memref<32x80x128xi32, #tpu.memory_space<hbm>> -> memref<1x1x128xi32, #tpu.memory_space<hbm>>
          %dma_wait3A_56 = tpu.memref_squeeze %dma_wait3A_55 : memref<1x1x128xi32, #tpu.memory_space<hbm>> -> memref<128xi32, #tpu.memory_space<hbm>>
          %dma_wait3A_57 = arith.constant 0 : i32
          %dma_wait3A_58 = tpu.memref_slice %arg4[%add3A, %add3A_44, %dma_wait3A_57] : memref<32x80x128xi32, #tpu.memory_space<hbm>> -> memref<1x1x128xi32, #tpu.memory_space<hbm>>
          %dma_wait3A_59 = tpu.memref_squeeze %dma_wait3A_58 : memref<1x1x128xi32, #tpu.memory_space<hbm>> -> memref<128xi32, #tpu.memory_space<hbm>>
          tpu.wait_dma2 semaphore(%run_scoped3A : memref<!tpu.dma_semaphore, #tpu.memory_space<semaphore_mem>>) src(%dma_wait3A_59 : memref<128xi32, #tpu.memory_space<hbm>>) dst(%arg9 : memref<128xi32, #tpu.memory_space<vmem>>)
          tpu.yield
        }) : () -> ()
        %dma_start3A_45 = arith.constant 0 : i32
        %dma_start3A_46 = arith.constant 0 : i32
        %dma_start3A_47 = tpu.memref_slice %arg2[%dma_start3A_45, %dma_start3A_46] : memref<10000x128xf32, #tpu.memory_space<hbm>> -> memref<10000x128xf32, #tpu.memory_space<hbm>>
        tpu.enqueue_indirect_dma source(%dma_start3A_47 : memref<10000x128xf32, #tpu.memory_space<hbm>>) target(%arg11 : memref<128x128xf32, #tpu.memory_space<vmem>>) offsets(%arg7 : memref<128xi32, #tpu.memory_space<vmem>>) semaphore(%arg14 : memref<!tpu.dma_semaphore, #tpu.memory_space<semaphore_mem>>)
      } else {
      }
      %dma_start3A_40 = arith.constant 0 : i32
      %dma_start3A_41 = arith.constant 0 : i32
      %dma_start3A_42 = tpu.memref_slice %arg13[%dma_start3A_40, %dma_start3A_41] : memref<10112x128xf32, #tpu.memory_space<vmem_shared>> -> memref<10112x128xf32, #tpu.memory_space<vmem_shared>>
      tpu.enqueue_indirect_dma source(%arg12 : memref<128x128xf32, #tpu.memory_space<vmem>>) target(%dma_start3A_42 : memref<10112x128xf32, #tpu.memory_space<vmem_shared>>) offsets(%arg10 : memref<128xi32, #tpu.memory_space<vmem>>) semaphore(%arg17 : memref<!tpu.dma_semaphore, #tpu.memory_space<semaphore_mem>>) {add = true}
    }
    %scan3A_7 = arith.constant 40 : i32
    %dma_wait3A = arith.constant 0 : i32
    %dma_wait3A_8 = arith.constant 0 : i32
    %dma_wait3A_9 = tpu.memref_slice %arg13[%dma_wait3A, %dma_wait3A_8] : memref<10112x128xf32, #tpu.memory_space<vmem_shared>> -> memref<10112x128xf32, #tpu.memory_space<vmem_shared>>
    tpu.wait_indirect_dma semaphore(%arg17 : memref<!tpu.dma_semaphore, #tpu.memory_space<semaphore_mem>>) src(%arg12 : memref<128x128xf32, #tpu.memory_space<vmem>>) dst(%dma_wait3A_9 : memref<10112x128xf32, #tpu.memory_space<vmem_shared>>)
    %barrier3A_10 = arith.constant 0 : index
    tpu.barrier barrier_id(%barrier3A_10)
    "tpu.region"() ({
      %run_scoped3A = tpu.sem_alloc : memref<!tpu.dma_semaphore, #tpu.memory_space<semaphore_mem>>
      %dma_start3A = arith.constant 0 : i32
      %dma_start3A_11 = tpu.memref_slice %arg6[%arg0, %mul3A_2, %dma_start3A] : memref<2x10112x128xf32, #tpu.memory_space<hbm>> -> memref<1x632x128xf32, #tpu.memory_space<hbm>>
      %dma_start3A_12 = tpu.memref_squeeze %dma_start3A_11 : memref<1x632x128xf32, #tpu.memory_space<hbm>> -> memref<632x128xf32, #tpu.memory_space<hbm>>
      %dma_start3A_13 = arith.constant 0 : i32
      %dma_start3A_14 = tpu.memref_slice %arg13[%mul3A_2, %dma_start3A_13] : memref<10112x128xf32, #tpu.memory_space<vmem_shared>> -> memref<632x128xf32, #tpu.memory_space<vmem_shared>>
      tpu.enqueue_dma source(%dma_start3A_14 : memref<632x128xf32, #tpu.memory_space<vmem_shared>>) target(%dma_start3A_12 : memref<632x128xf32, #tpu.memory_space<hbm>>) target_semaphore(%run_scoped3A : memref<!tpu.dma_semaphore, #tpu.memory_space<semaphore_mem>>)
      %dma_wait3A_15 = arith.constant 0 : i32
      %dma_wait3A_16 = tpu.memref_slice %arg6[%arg0, %mul3A_2, %dma_wait3A_15] : memref<2x10112x128xf32, #tpu.memory_space<hbm>> -> memref<1x632x128xf32, #tpu.memory_space<hbm>>
      %dma_wait3A_17 = tpu.memref_squeeze %dma_wait3A_16 : memref<1x632x128xf32, #tpu.memory_space<hbm>> -> memref<632x128xf32, #tpu.memory_space<hbm>>
      %dma_wait3A_18 = arith.constant 0 : i32
      %dma_wait3A_19 = tpu.memref_slice %arg13[%mul3A_2, %dma_wait3A_18] : memref<10112x128xf32, #tpu.memory_space<vmem_shared>> -> memref<632x128xf32, #tpu.memory_space<vmem_shared>>
      tpu.wait_dma2 semaphore(%run_scoped3A : memref<!tpu.dma_semaphore, #tpu.memory_space<semaphore_mem>>) src(%dma_wait3A_19 : memref<632x128xf32, #tpu.memory_space<vmem_shared>>) dst(%dma_wait3A_17 : memref<632x128xf32, #tpu.memory_space<hbm>>)
      tpu.yield
    }) : () -> ()
    return
  }
}

module attributes {stable_mosaic.version = 14 : i64} {
  func.func @_tc_layer_body(%arg0: i32, %arg1: memref<1000x128xf32, #tpu.memory_space<vmem>>, %arg2: memref<1000x128xf32, #tpu.memory_space<vmem>>, %arg3: memref<1000x128xf32, #tpu.memory_space<vmem>>, %arg4: memref<1000x16xf32, #tpu.memory_space<vmem>>, %arg5: memref<1000x16xf32, #tpu.memory_space<vmem>>, %arg6: memref<128x128xf32, #tpu.memory_space<vmem>>, %arg7: memref<128x128xf32, #tpu.memory_space<vmem>>, %arg8: memref<1x128xf32, #tpu.memory_space<vmem>>, %arg9: memref<1000x128xf32, #tpu.memory_space<vmem>>) attributes {dimension_semantics = [#tpu.dimension_semantics<arbitrary>], iteration_bounds = array<i64: 10>, scalar_prefetch = 0 : i64, scratch_operands = 0 : i64, tpu.core_type = #tpu.core_type<tc>, window_params = [{transform_indices = @transform_0, window_bounds = array<i64: 1000, 128>}, {transform_indices = @transform_1, window_bounds = array<i64: 1000, 128>}, {transform_indices = @transform_2, window_bounds = array<i64: 1000, 128>}, {transform_indices = @transform_3, window_bounds = array<i64: 1000, 16>}, {transform_indices = @transform_4, window_bounds = array<i64: 1000, 16>}, {pipeline_mode = #tpu.pipeline_mode<synchronous>, transform_indices = @transform_5, window_bounds = array<i64: 128, 128>}, {pipeline_mode = #tpu.pipeline_mode<synchronous>, transform_indices = @transform_6, window_bounds = array<i64: 128, 128>}, {pipeline_mode = #tpu.pipeline_mode<synchronous>, transform_indices = @transform_7, window_bounds = array<i64: 1, 128>}, {transform_indices = @transform_8, window_bounds = array<i64: 1000, 128>}]} {
    %get3A = arith.constant 0 : index
    %get3A_0 = arith.constant 0 : index
    %get3A_1 = vector.load %arg1[%get3A, %get3A_0] : memref<1000x128xf32, #tpu.memory_space<vmem>>, vector<1000x128xf32>
    %get3A_2 = arith.constant 0 : index
    %get3A_3 = arith.constant 0 : index
    %get3A_4 = vector.load %arg2[%get3A_2, %get3A_3] : memref<1000x128xf32, #tpu.memory_space<vmem>>, vector<1000x128xf32>
    %get3A_5 = arith.constant 0 : index
    %get3A_6 = arith.constant 0 : index
    %get3A_7 = vector.load %arg3[%get3A_5, %get3A_6] : memref<1000x128xf32, #tpu.memory_space<vmem>>, vector<1000x128xf32>
    %add3A = arith.addf %get3A_4, %get3A_7 : vector<1000x128xf32>
    %get3A_8 = arith.constant 0 : index
    %get3A_9 = arith.constant 0 : index
    %get3A_10 = vector.load %arg4[%get3A_8, %get3A_9] : memref<1000x16xf32, #tpu.memory_space<vmem>>, vector<1000x16xf32>
    %slice3A = vector.extract_strided_slice %get3A_10 {offsets = [0, 0], sizes = [1000, 1], strides = [1, 1]} : vector<1000x16xf32> to vector<1000x1xf32>
    %get3A_11 = arith.constant 0 : index
    %get3A_12 = arith.constant 0 : index
    %get3A_13 = vector.load %arg5[%get3A_11, %get3A_12] : memref<1000x16xf32, #tpu.memory_space<vmem>>, vector<1000x16xf32>
    %slice3A_14 = vector.extract_strided_slice %get3A_13 {offsets = [0, 0], sizes = [1000, 1], strides = [1, 1]} : vector<1000x16xf32> to vector<1000x1xf32>
    %add3A_15 = arith.addf %slice3A, %slice3A_14 : vector<1000x1xf32>
    %max3A = arith.constant 1.000000e+00 : f32
    %max3A_16 = vector.broadcast %max3A : f32 to vector<1000x1xf32>
    %max3A_17 = arith.maximumf %add3A_15, %max3A_16 : vector<1000x1xf32>
    %div3A = vector.broadcast %max3A_17 : vector<1000x1xf32> to vector<1000x128xf32>
    %div3A_18 = arith.divf %add3A, %div3A : vector<1000x128xf32>
    %get3A_19 = arith.constant 0 : index
    %get3A_20 = arith.constant 0 : index
    %get3A_21 = vector.load %arg6[%get3A_19, %get3A_20] : memref<128x128xf32, #tpu.memory_space<vmem>>, vector<128x128xf32>
    %dot_general3A = arith.constant dense<0.000000e+00> : vector<1000x128xf32>
    %dot_general3A_22 = tpu.matmul %get3A_1, %get3A_21, %dot_general3A {dimension_numbers = #tpu.dot_dimension_numbers<[1], [0], [0], [1], [0, 0, 1, 1], [], []>, transpose_lhs_hint = false} : vector<1000x128xf32>, vector<128x128xf32>, vector<1000x128xf32> -> vector<1000x128xf32>
    %get3A_23 = arith.constant 0 : index
    %get3A_24 = arith.constant 0 : index
    %get3A_25 = vector.load %arg7[%get3A_23, %get3A_24] : memref<128x128xf32, #tpu.memory_space<vmem>>, vector<128x128xf32>
    %dot_general3A_26 = arith.constant dense<0.000000e+00> : vector<1000x128xf32>
    %dot_general3A_27 = tpu.matmul %div3A_18, %get3A_25, %dot_general3A_26 {dimension_numbers = #tpu.dot_dimension_numbers<[1], [0], [0], [1], [0, 0, 1, 1], [], []>, transpose_lhs_hint = false} : vector<1000x128xf32>, vector<128x128xf32>, vector<1000x128xf32> -> vector<1000x128xf32>
    %add3A_28 = arith.addf %dot_general3A_22, %dot_general3A_27 : vector<1000x128xf32>
    %get3A_29 = arith.constant 0 : index
    %get3A_30 = arith.constant 0 : index
    %get3A_31 = vector.load %arg8[%get3A_29, %get3A_30] : memref<1x128xf32, #tpu.memory_space<vmem>>, vector<1x128xf32>
    %add3A_32 = vector.broadcast %get3A_31 : vector<1x128xf32> to vector<1000x128xf32>
    %add3A_33 = arith.addf %add3A_28, %add3A_32 : vector<1000x128xf32>
    %ge3A = arith.constant 0.000000e+00 : f32
    %ge3A_34 = vector.broadcast %ge3A : f32 to vector<1000x128xf32>
    %ge3A_35 = arith.cmpf oge, %add3A_33, %ge3A_34 : vector<1000x128xf32>
    %mul3A = arith.constant 0.00999999977 : f32
    %mul3A_36 = vector.broadcast %mul3A : f32 to vector<1000x128xf32>
    %mul3A_37 = arith.mulf %mul3A_36, %add3A_33 : vector<1000x128xf32>
    %select_n3A = arith.select %ge3A_35, %add3A_33, %mul3A_37 : vector<1000x128xi1>, vector<1000x128xf32>
    %swap3A = arith.constant 0 : index
    %swap3A_38 = arith.constant 0 : index
    %swap3A_39 = vector.load %arg9[%swap3A, %swap3A_38] : memref<1000x128xf32, #tpu.memory_space<vmem>>, vector<1000x128xf32>
    tpu.vector_store %arg9[%swap3A, %swap3A_38], %select_n3A {strides = array<i32>} : memref<1000x128xf32, #tpu.memory_space<vmem>>, vector<1000x128xf32>,
    return
  }
  func.func @transform_0(%arg0: i32) -> (i32, i32) {
    %c0_i32 = arith.constant 0 : i32
    %c0_i32_0 = arith.constant 0 : i32
    return %arg0, %c0_i32 : i32, i32
  }
  func.func @transform_1(%arg0: i32) -> (i32, i32) {
    %c0_i32 = arith.constant 0 : i32
    %c0_i32_0 = arith.constant 0 : i32
    return %arg0, %c0_i32 : i32, i32
  }
  func.func @transform_2(%arg0: i32) -> (i32, i32) {
    %c0_i32 = arith.constant 0 : i32
    %c0_i32_0 = arith.constant 0 : i32
    return %arg0, %c0_i32 : i32, i32
  }
  func.func @transform_3(%arg0: i32) -> (i32, i32) {
    %c0_i32 = arith.constant 0 : i32
    %c0_i32_0 = arith.constant 0 : i32
    return %arg0, %c0_i32 : i32, i32
  }
  func.func @transform_4(%arg0: i32) -> (i32, i32) {
    %c0_i32 = arith.constant 0 : i32
    %c0_i32_0 = arith.constant 0 : i32
    return %arg0, %c0_i32 : i32, i32
  }
  func.func @transform_5(%arg0: i32) -> (i32, i32) {
    %c0_i32 = arith.constant 0 : i32
    %c0_i32_0 = arith.constant 0 : i32
    %c0_i32_1 = arith.constant 0 : i32
    return %c0_i32, %c0_i32_0 : i32, i32
  }
  func.func @transform_6(%arg0: i32) -> (i32, i32) {
    %c0_i32 = arith.constant 0 : i32
    %c0_i32_0 = arith.constant 0 : i32
    %c0_i32_1 = arith.constant 0 : i32
    return %c0_i32, %c0_i32_0 : i32, i32
  }
  func.func @transform_7(%arg0: i32) -> (i32, i32) {
    %c0_i32 = arith.constant 0 : i32
    %c0_i32_0 = arith.constant 0 : i32
    %c0_i32_1 = arith.constant 0 : i32
    return %c0_i32, %c0_i32_0 : i32, i32
  }
  func.func @transform_8(%arg0: i32) -> (i32, i32) {
    %c0_i32 = arith.constant 0 : i32
    %c0_i32_0 = arith.constant 0 : i32
    return %arg0, %c0_i32 : i32, i32
  }
}

module attributes {stable_mosaic.version = 14 : i64} {
  func.func @_tc_layer_body(%arg0: i32, %arg1: memref<1000x128xf32, #tpu.memory_space<vmem>>, %arg2: memref<1000x128xf32, #tpu.memory_space<vmem>>, %arg3: memref<1000x128xf32, #tpu.memory_space<vmem>>, %arg4: memref<1000x16xf32, #tpu.memory_space<vmem>>, %arg5: memref<1000x16xf32, #tpu.memory_space<vmem>>, %arg6: memref<128x128xf32, #tpu.memory_space<vmem>>, %arg7: memref<128x128xf32, #tpu.memory_space<vmem>>, %arg8: memref<1x128xf32, #tpu.memory_space<vmem>>, %arg9: memref<1000x128xf32, #tpu.memory_space<vmem>>) attributes {dimension_semantics = [#tpu.dimension_semantics<arbitrary>], iteration_bounds = array<i64: 10>, scalar_prefetch = 0 : i64, scratch_operands = 0 : i64, tpu.core_type = #tpu.core_type<tc>, window_params = [{transform_indices = @transform_0, window_bounds = array<i64: 1000, 128>}, {transform_indices = @transform_1, window_bounds = array<i64: 1000, 128>}, {transform_indices = @transform_2, window_bounds = array<i64: 1000, 128>}, {transform_indices = @transform_3, window_bounds = array<i64: 1000, 16>}, {transform_indices = @transform_4, window_bounds = array<i64: 1000, 16>}, {pipeline_mode = #tpu.pipeline_mode<synchronous>, transform_indices = @transform_5, window_bounds = array<i64: 128, 128>}, {pipeline_mode = #tpu.pipeline_mode<synchronous>, transform_indices = @transform_6, window_bounds = array<i64: 128, 128>}, {pipeline_mode = #tpu.pipeline_mode<synchronous>, transform_indices = @transform_7, window_bounds = array<i64: 1, 128>}, {transform_indices = @transform_8, window_bounds = array<i64: 1000, 128>}]} {
    %get3A = arith.constant 0 : index
    %get3A_0 = arith.constant 0 : index
    %get3A_1 = vector.load %arg1[%get3A, %get3A_0] : memref<1000x128xf32, #tpu.memory_space<vmem>>, vector<1000x128xf32>
    %get3A_2 = arith.constant 0 : index
    %get3A_3 = arith.constant 0 : index
    %get3A_4 = vector.load %arg2[%get3A_2, %get3A_3] : memref<1000x128xf32, #tpu.memory_space<vmem>>, vector<1000x128xf32>
    %get3A_5 = arith.constant 0 : index
    %get3A_6 = arith.constant 0 : index
    %get3A_7 = vector.load %arg3[%get3A_5, %get3A_6] : memref<1000x128xf32, #tpu.memory_space<vmem>>, vector<1000x128xf32>
    %add3A = arith.addf %get3A_4, %get3A_7 : vector<1000x128xf32>
    %get3A_8 = arith.constant 0 : index
    %get3A_9 = arith.constant 0 : index
    %get3A_10 = vector.load %arg4[%get3A_8, %get3A_9] : memref<1000x16xf32, #tpu.memory_space<vmem>>, vector<1000x16xf32>
    %slice3A = vector.extract_strided_slice %get3A_10 {offsets = [0, 0], sizes = [1000, 1], strides = [1, 1]} : vector<1000x16xf32> to vector<1000x1xf32>
    %get3A_11 = arith.constant 0 : index
    %get3A_12 = arith.constant 0 : index
    %get3A_13 = vector.load %arg5[%get3A_11, %get3A_12] : memref<1000x16xf32, #tpu.memory_space<vmem>>, vector<1000x16xf32>
    %slice3A_14 = vector.extract_strided_slice %get3A_13 {offsets = [0, 0], sizes = [1000, 1], strides = [1, 1]} : vector<1000x16xf32> to vector<1000x1xf32>
    %add3A_15 = arith.addf %slice3A, %slice3A_14 : vector<1000x1xf32>
    %max3A = arith.constant 1.000000e+00 : f32
    %max3A_16 = vector.broadcast %max3A : f32 to vector<1000x1xf32>
    %max3A_17 = arith.maximumf %add3A_15, %max3A_16 : vector<1000x1xf32>
    %div3A = vector.broadcast %max3A_17 : vector<1000x1xf32> to vector<1000x128xf32>
    %div3A_18 = arith.divf %add3A, %div3A : vector<1000x128xf32>
    %get3A_19 = arith.constant 0 : index
    %get3A_20 = arith.constant 0 : index
    %get3A_21 = vector.load %arg6[%get3A_19, %get3A_20] : memref<128x128xf32, #tpu.memory_space<vmem>>, vector<128x128xf32>
    %dot_general3A = arith.constant dense<0.000000e+00> : vector<1000x128xf32>
    %dot_general3A_22 = tpu.matmul %get3A_1, %get3A_21, %dot_general3A {dimension_numbers = #tpu.dot_dimension_numbers<[1], [0], [0], [1], [0, 0, 1, 1], [], []>, transpose_lhs_hint = false} : vector<1000x128xf32>, vector<128x128xf32>, vector<1000x128xf32> -> vector<1000x128xf32>
    %get3A_23 = arith.constant 0 : index
    %get3A_24 = arith.constant 0 : index
    %get3A_25 = vector.load %arg7[%get3A_23, %get3A_24] : memref<128x128xf32, #tpu.memory_space<vmem>>, vector<128x128xf32>
    %dot_general3A_26 = arith.constant dense<0.000000e+00> : vector<1000x128xf32>
    %dot_general3A_27 = tpu.matmul %div3A_18, %get3A_25, %dot_general3A_26 {dimension_numbers = #tpu.dot_dimension_numbers<[1], [0], [0], [1], [0, 0, 1, 1], [], []>, transpose_lhs_hint = false} : vector<1000x128xf32>, vector<128x128xf32>, vector<1000x128xf32> -> vector<1000x128xf32>
    %add3A_28 = arith.addf %dot_general3A_22, %dot_general3A_27 : vector<1000x128xf32>
    %get3A_29 = arith.constant 0 : index
    %get3A_30 = arith.constant 0 : index
    %get3A_31 = vector.load %arg8[%get3A_29, %get3A_30] : memref<1x128xf32, #tpu.memory_space<vmem>>, vector<1x128xf32>
    %add3A_32 = vector.broadcast %get3A_31 : vector<1x128xf32> to vector<1000x128xf32>
    %add3A_33 = arith.addf %add3A_28, %add3A_32 : vector<1000x128xf32>
    %swap3A = arith.constant 0 : index
    %swap3A_34 = arith.constant 0 : index
    %swap3A_35 = vector.load %arg9[%swap3A, %swap3A_34] : memref<1000x128xf32, #tpu.memory_space<vmem>>, vector<1000x128xf32>
    tpu.vector_store %arg9[%swap3A, %swap3A_34], %add3A_33 {strides = array<i32>} : memref<1000x128xf32, #tpu.memory_space<vmem>>, vector<1000x128xf32>,
    return
  }
  func.func @transform_0(%arg0: i32) -> (i32, i32) {
    %c0_i32 = arith.constant 0 : i32
    %c0_i32_0 = arith.constant 0 : i32
    return %arg0, %c0_i32 : i32, i32
  }
  func.func @transform_1(%arg0: i32) -> (i32, i32) {
    %c0_i32 = arith.constant 0 : i32
    %c0_i32_0 = arith.constant 0 : i32
    return %arg0, %c0_i32 : i32, i32
  }
  func.func @transform_2(%arg0: i32) -> (i32, i32) {
    %c0_i32 = arith.constant 0 : i32
    %c0_i32_0 = arith.constant 0 : i32
    return %arg0, %c0_i32 : i32, i32
  }
  func.func @transform_3(%arg0: i32) -> (i32, i32) {
    %c0_i32 = arith.constant 0 : i32
    %c0_i32_0 = arith.constant 0 : i32
    return %arg0, %c0_i32 : i32, i32
  }
  func.func @transform_4(%arg0: i32) -> (i32, i32) {
    %c0_i32 = arith.constant 0 : i32
    %c0_i32_0 = arith.constant 0 : i32
    return %arg0, %c0_i32 : i32, i32
  }
  func.func @transform_5(%arg0: i32) -> (i32, i32) {
    %c0_i32 = arith.constant 0 : i32
    %c0_i32_0 = arith.constant 0 : i32
    %c0_i32_1 = arith.constant 0 : i32
    return %c0_i32, %c0_i32_0 : i32, i32
  }
  func.func @transform_6(%arg0: i32) -> (i32, i32) {
    %c0_i32 = arith.constant 0 : i32
    %c0_i32_0 = arith.constant 0 : i32
    %c0_i32_1 = arith.constant 0 : i32
    return %c0_i32, %c0_i32_0 : i32, i32
  }
  func.func @transform_7(%arg0: i32) -> (i32, i32) {
    %c0_i32 = arith.constant 0 : i32
    %c0_i32_0 = arith.constant 0 : i32
    %c0_i32_1 = arith.constant 0 : i32
    return %c0_i32, %c0_i32_0 : i32, i32
  }
  func.func @transform_8(%arg0: i32) -> (i32, i32) {
    %c0_i32 = arith.constant 0 : i32
    %c0_i32_0 = arith.constant 0 : i32
    return %arg0, %c0_i32 : i32, i32
  }
}

</mosaic_0001>

<sc_bundles>
// kernel: kernel.12.cloned.1.call-start
scs
__scs_entry_jumppad:
0x0: {  	(pc) =	sbr.rel $0x88, $3  }
0x1: {  	(tag) =	ssettag $0x0;
	lr =	simm.s32 $0x1  }
0x2: {  	[smem:$0x3F96] =	sst lr;
	_ =	strace $0xD0000000  }
0x3: {  	_ = 	snop  }
0x4: {  	_ = 	snop  }
0x5: {  	_ = 	snop  }
0x6: {  	_ = 	snop  }
0x7: {  	_ = 	snop  }
__scs_overlays_trampoline_lowered:
0x8: {  	[smem:$0x3FA5] =	sst s0  }
0x9: {  	[smem:$0x3FA6] =	sst s1  }
0xa: {  	[smem:$0x3FA7] =	sst s2  }
0xb: {  	[smem:$0x3FA8] =	sst s3  }
0xc: {  	[smem:$0x3FA9] =	sst s4  }
0xd: {  	[smem:$0x3FAA] =	sst s5  }
0xe: {  	[smem:$0x3FAB] =	sst s6  }
0xf: {  	[smem:$0x3FAC] =	sst s7  }
0x10: {  	[smem:$0x3FAD] =	sst s8  }
0x11: {  	[smem:$0x3FAE] =	sst s9;
	s0 =	simm.s32 @!p0 $0x0  }
0x12: {  	s1 =	sld [smem:$0x3F94];
	s0 =	simm.s32 @p0 $0x1  }
0x13: {  	[smem:$0x3FAF] =	sst s0;
	s0 =	simm.s32 @!p1 $0x0  }
0x14: {  	s2 =	sld [smem:$0x3F93];
	s0 =	simm.s32 @p1 $0x1  }
0x15: {  	[smem:$0x3FB0] =	sst s0;
	s0 =	simm.s32 @!p2 $0x0  }
0x16: {  	s3 =	sld [smem:$0x3FDB];
	s0 =	simm.s32 @p2 $0x1  }
0x17: {  	s4 =	simm.s32 $0x1BF5;
	[smem:$0x3FB2] =	sst s0  }
0x18: {  	s0 =	sld [smem:$0x3F95];
	_ =	swait.ge [sflag:s4], $0x0  }
0x19: {  	s7 =	sld [smem:$0x3F96]  }
0x1a: {  	s8 =	sadd.s32 $0xFFFFE003, lr  }
0x1b: {  	s9 =	sadd.s32 $0xFFFFFEF7, lr;
	s5 =	simm.s32 $0xFFFFFFFF;
	p2 =	slt.u32 s8, $0xFFFFF086  }
0x1c: {  	p1 =	slt.u32 s9, $0xF7A;
	s5 =	simm.s32 @!p2 $0x0  }
0x1d: {  	s5 =	simm.s32 @p1 $0x1;
	p0 =	seq.s32 s7, s2  }
0x1e: {  	s7 =	smul.u32 @!p0 $0xF7A, s2;
	p2 =	seq.s32 @!p0 s5, $0x0  }
0x1f: {  	s9 =	smul.u32 $0xF7A, s1;
	s8 =	simm.s32 @!p0 $0x1BF5;
	p2 =	por !p2, p0  }
0x20: {  	[sflag:s8] =	ssyncset.s32 @!p0 $0xFFFFF086;
	s6 =	sadd.s32 @!p0 s3, s7;
	s7 =	simm.s32 @!p0 $0x108  }
0x21: {  	s3 =	sadd.s32 s3, s9;
	s6 =	sadd.s32 @!p0 $0x88, s6;
	s7 =	simm.s32 @p2 $0x1082  }
0x22: {  	[simem:s7], [sflag:s8] =	dma.local @!p0 [hbm:s6], $0xF7A  }
0x23: {  	s9 =	sor.u32 $0xD0000000, s2;
	s6 =	simm.s32 $0x108;
	_ =	swait.ge @!p0 [sflag:s8], $0x0  }
0x24: {  	s3 =	sadd.s32 $0x88, s3;
	s6 =	simm.s32 @!p1 $0x1082;
	[sflag:s4] =	ssyncset.s32 $0xFFFFF086  }
0x25: {  	[simem:s6], [sflag:s4] =	dma.local [hbm:s3], $0xF7A  }
0x26: {  	[smem:$0x3F96] =	sst s1;
	(tag) =	ssettag s2;
	_ =	strace s9  }
0x27: {  	s1 =	sld [smem:$0x3FA6]  }
0x28: {  	s2 =	sld [smem:$0x3FA7]  }
0x29: {  	s4 =	sld [smem:$0x3FA9]  }
0x2a: {  	p0 =	seq.s32 s5, $0x0;
	s5 =	sld [smem:$0x3FAA]  }
0x2b: {  	s6 =	sld [smem:$0x3FAB]  }
0x2c: {  	s7 =	sld [smem:$0x3FAC]  }
0x2d: {  	s3 =	simm.s32 $0x108;
	s8 =	sld [smem:$0x3FAD]  }
0x2e: {  	s3 =	simm.s32 @!p0 $0x1082;
	s9 =	sld [smem:$0x3FAE]  }
0x2f: {  	lr =	sadd.s32 s0, s3;
	s0 =	sld [smem:$0x3FA5]  }
0x30: {  	s3 =	sld [smem:$0x3FA8]  }
0x31: {  	[smem:$0x3FB1] =	sst s10  }
0x32: {  	s10 =	sld [smem:$0x3FAF];
	_ =	sdelay $0x3  }
0x33: {  	p0 =	seq.s32 s10, $0x1;
	s10 =	sld [smem:$0x3FB1];
	_ =	sdelay $0x3  }
0x34: {  	[smem:$0x3FB1] =	sst s10  }
0x35: {  	s10 =	sld [smem:$0x3FB0];
	_ =	sdelay $0x3  }
0x36: {  	p1 =	seq.s32 s10, $0x1;
	s10 =	sld [smem:$0x3FB1];
	_ =	sdelay $0x3  }
0x37: {  	[smem:$0x3FB1] =	sst s10  }
0x38: {  	s10 =	sld [smem:$0x3FB2]  }
0x39: {  	_ = 	snop;
	(pc) =	sbr.ind lr, $3  }
0x3a: {  	_ = 	snop  }
0x3b: {  	_ = 	snop  }
0x3c: {  	p2 =	seq.s32 s10, $0x1;
	s10 =	sld [smem:$0x3FB1]  }
0x3d: {  	_ =	shalt  }
0x3e: {  	_ =	shalt  }
0x3f: {  	_ =	shalt  }
0x40: {  	_ =	shalt  }
0x41: {  	_ =	shalt  }
0x42: {  	_ =	shalt  }
0x43: {  	_ =	shalt  }
0x44: {  	_ =	shalt  }
0x45: {  	_ =	shalt  }
0x46: {  	_ =	shalt  }
0x47: {  	_ =	shalt  }
0x48: {  	_ =	shalt  }
0x49: {  	_ =	shalt  }
0x4a: {  	_ =	shalt  }
0x4b: {  	_ =	shalt  }
0x4c: {  	_ =	shalt  }
0x4d: {  	_ =	shalt  }
0x4e: {  	_ =	shalt  }
0x4f: {  	_ =	shalt  }
0x50: {  	_ =	shalt  }
0x51: {  	_ =	shalt  }
0x52: {  	_ =	shalt  }
0x53: {  	_ =	shalt  }
0x54: {  	_ =	shalt  }
0x55: {  	_ =	shalt  }
0x56: {  	_ =	shalt  }
0x57: {  	_ =	shalt  }
0x58: {  	_ =	shalt  }
0x59: {  	_ =	shalt  }
0x5a: {  	_ =	shalt  }
0x5b: {  	_ =	shalt  }
0x5c: {  	_ =	shalt  }
0x5d: {  	_ =	shalt  }
0x5e: {  	_ =	shalt  }
0x5f: {  	_ =	shalt  }
0x60: {  	_ =	shalt  }
0x61: {  	_ =	shalt  }
0x62: {  	_ =	shalt  }
0x63: {  	_ =	shalt  }
0x64: {  	_ =	shalt  }
0x65: {  	_ =	shalt  }
0x66: {  	_ =	shalt  }
0x67: {  	_ =	shalt  }
0x68: {  	_ =	shalt  }
0x69: {  	_ =	shalt  }
0x6a: {  	_ =	shalt  }
0x6b: {  	_ =	shalt  }
0x6c: {  	_ =	shalt  }
0x6d: {  	_ =	shalt  }
0x6e: {  	_ =	shalt  }
0x6f: {  	_ =	shalt  }
0x70: {  	_ =	shalt  }
0x71: {  	_ =	shalt  }
0x72: {  	_ =	shalt  }
0x73: {  	_ =	shalt  }
0x74: {  	_ =	shalt  }
0x75: {  	_ =	shalt  }
0x76: {  	_ =	shalt  }
0x77: {  	_ =	shalt  }
0x78: {  	_ =	shalt  }
0x79: {  	_ =	shalt  }
0x7a: {  	_ =	shalt  }
0x7b: {  	_ =	shalt  }
0x7c: {  	_ =	shalt  }
0x7d: {  	_ =	shalt  }
0x7e: {  	_ =	shalt  }
0x7f: {  	_ =	shalt  }
0x80: {  	_ =	shalt  }
0x81: {  	_ =	shalt  }
0x82: {  	_ =	shalt  }
0x83: {  	_ =	shalt  }
0x84: {  	_ =	shalt  }
0x85: {  	_ =	shalt  }
0x86: {  	_ =	shalt  }
0x87: {  	_ =	shalt  }
.Lfunc_end0:
.L_simem_size_0:
called_computation.1_lowered:
.L_overlay_start_0:
0x88: {  	s2 =	sld [smem:$0x3FD9]  }
0x89: {  	s3 =	sld [smem:$0x3FFE];
	_ =	sdelay $0x1  }
0x8a: {  	s1 =	srdreg.scid  }
0x8b: {  	s0 =	sand.u32 $0x1, s1  }
0x8c: {  	s17 =	sshll.u32 s0, $0xA;
	s2 =	sadd.s32 s3, s2  }
0x8d: {  	s2 =	sadd.s32 s2, s17  }
0x8e: {  	[smem:$0x3FBD] =	sst s2  }
0x8f: {  	_ = 	snop  }
0x90: {  	s18 =	sld [smem:$0x3FC9];
	(tm) =	ssettm $0x1  }
0x91: {  	s19 =	sld [smem:$0x3FFB];
	_ =	sdelay $0x3  }
0x92: {  	_ =	strace s19  }
0x93: {  	s2 =	sld [smem:$0x3FFC];
	_ =	sdelay $0x3  }
0x94: {  	_ =	strace s2  }
0x95: {  	s2 =	sld [smem:$0x3FFD];
	_ =	sdelay $0x3  }
0x96: {  	_ =	strace s2  }
0x97: {  	_ =	strace $0x8FFFFFFF  }
0x98: {  	s20 =	sld [smem:$0x3FDB];
	_ =	sdelay $0x1  }
0x99: {  	s4 =	simm.s32 $_scs_section_size  }
0x9a: {  	s5 =	simm.s32 $_size__tile_overlayer_lowered;
	s6 =	simm.s32 $_tile_overlayer_lowered  }
0x9b: {  	s7 =	simm.s32 $0x1BFF;
	s21 =	sshll.u32 s6, $0x1;
	s4 =	sadd.s32 s4, s20  }
0x9c: {  	s22 =	simm.s32 $0x0;
	s5 =	sshll.u32 s5, $0x1;
	s6 =	sadd.s32 s21, s4  }
0x9d: {  	[timem:s22], [sflag:s7] =	dma.local [hbm:s6], s5  }
0x9e: {  	_ =	swait.ge [sflag:s7], s5  }
0x9f: {  	s5 =	ssub.s32 $0x0, s5;
	[sflag:s7] =	ssyncset.done $0x0  }
0xa0: {  	[sflag:s7] =	ssyncadd.s32 s5;
	_ =	sdelay $0x1  }
0xa1: {  	s23 =	simm.s32 $0x1B8B  }
0xa2: {  	_ =	swait.ge [sflag:s23], $0x1  }
0xa3: {  	[sflag:s23] =	ssyncset.done $0x0  }
0xa4: {  	[sflag:s23] =	ssyncadd.s32 $0xFFFFFFFF  }
0xa5: {  	s5 =	sld [smem:$0x0]  }
0xa6: {  	s6 =	sand.u32 $0xFFFFFFFE, s1  }
0xa7: {  	p0 =	sne.s32 s1, s6  }
0xa8: {  	s6 =	sshll.u32 @p0 s6, $0xE  }
0xa9: {  	s6 =	sadd.s32 @p0 $0x11B8D, s6;
	s7 =	sshll.u32 @p0 s5, $0x11  }
0xaa: {  	s6 =	sor.u32 @p0 s7, s6  }
0xab: {  	[sflag:s6] =	ssyncadd.remote.s32 @p0 $0x1;
	_ =	sdelay $0x1  }
0xac: {  	s6 =	simm.s32 @p0 $0x1B8D  }
0xad: {  	_ =	swait.eq @p0 [sflag:s6], $0x1  }
0xae: {  	[sflag:s6] =	ssyncadd.s32 @p0 $0xFFFFFFFF  }
0xaf: {  	s7 =	sshll.u32 @!p0 s1, $0xE  }
0xb0: {  	s7 =	sor.u32 @!p0 $0x4000, s7;
	s6 =	simm.s32 @!p0 $0x1B8D  }
0xb1: {  	s5 =	sshll.u32 @!p0 s5, $0x11;
	s7 =	sadd.s32 @!p0 $0x11B8D, s7;
	_ =	swait.eq @!p0 [sflag:s6], $0x1  }
0xb2: {  	s5 =	sor.u32 @!p0 s5, s7;
	[sflag:s6] =	ssyncadd.s32 @!p0 $0xFFFFFFFF  }
0xb3: {  	s25 =	simm.s32 $0x1B8E;
	s24 =	sld [smem:$0x3FFE];
	[sflag:s5] =	ssyncadd.remote.s32 @!p0 $0x1  }
0xb4: {  	s26 =	simm.s32 $execute0_lowered;
	[smem:$0x3FD2] =	sst s25  }
0xb5: {  	s6 =	sshll.u32 s26, $0x1;
	_ =	strace $0x80000049;
	[dreg:$0x1] =	wrdreg $0xFFFFFFFF  }
0xb6: {  	s28 =	simm.s32 $_size_execute0_lowered;
	s4 =	sadd.s32 s4, s6;
	[dreg:$0x0] =	wrdreg $0x0  }
0xb7: {  	s6 =	sshll.u32 s28, $0x1;
	[dreg:$0x2] =	wrdreg s4  }
0xb8: {  	[dreg:$0x3] =	wrdreg s6  }
0xb9: {  	[dreg:$0x4] =	wrdreg $0xC0  }
0xba: {  	_ =	task [dreg:s22], $0x5FFFF  }
0xbb: {  	[dreg:$0x1] =	wrdreg $0xFFFFFFFF  }
0xbc: {  	[dreg:$0x0] =	wrdreg $0x60  }
0xbd: {  	[dreg:$0x2] =	wrdreg s18  }
0xbe: {  	[dreg:$0x3] =	wrdreg s24  }
0xbf: {  	[dreg:$0x4] =	wrdreg $0x82000  }
0xc0: {  	[dreg:$0x5] =	wrdreg $0xA  }
0xc1: {  	_ =	task.clear_ibuf [dreg:s22], $0x6FFFF;
	_ =	strace $0x90000049  }
0xc2: {  	s29 =	simm.s32 $0xA;
	_ =	strace $0x8000004B  }
0xc3: {  	_ =	swait.ge [sflag:s29], $0x1  }
0xc4: {  	[sflag:s29] =	ssyncadd.s32 $0xFFFFFFFF  }
0xc5: {  	_ =	strace $0x9000004B  }
0xc6: {  	_ =	sfence  }
0xc7: {  	s30 =	sld [smem:$0x0];
	_ =	sdelay $0x2  }
0xc8: {  	s31 =	sshll.u32 s1, $0xD;
	s1 =	sshrl.u32 s1, $0x2  }
0xc9: {  	s4 =	sand.u32 $0x4000, s31;
	s1 =	sadd.s32 s1, s30  }
0xca: {  	s0 =	sor.u32 s4, s0;
	s1 =	sshll.u32 s1, $0x11  }
0xcb: {  	s0 =	sor.u32 s1, s0  }
0xcc: {  	s0 =	sadd.s32 $0x8F2B, s0  }
0xcd: {  	[sflag:s0] =	ssyncadd.remote.s32 $0x1  }
0xce: {  	_ =	sfence.sel $0xFFFF  }
0xcf: {  	[dreg:$0x0] =	wrdreg $0xFFFFFFFF;
	(pc) =	sbr.abs _section_cstart, $3  }
0xd0: {  	[dreg:$0x1] =	wrdreg $0xFFFFFFFF  }
0xd1: {  	_ =	task.clear_ibuf [dreg:s22], $0x2FFFF;
	_ =	strace $0x9FFFFFFF  }
0xd2: {  	(tm) =	ssettm $0x7FFFFFFF  }
0xd3: {  	_ =	shalt  }
tec
execute0_lowered:
.L_overlay_start_1:
0x0: {  	(tag) =	ssettag $0x1  }
0x1: {  	s2 =	rddreg [dreg:$0x0]  }
0x2: {  	s7 =	rddreg [dreg:$0x1]  }
0x3: {  	s3 =	rddreg [dreg:$0x2]  }
0x4: {  	s0 =	rddreg [dreg:$0x3]  }
0x5: {  	s1 =	stileid.u32;
	s5 =	srdreg.scid  }
0x6: {  	s4 =	simm.s32 $0x0;
	s17 =	simm.s32 $0x180;
	s18 =	simm.s32 $0x4200  }
0x7: {  	s19 =	simm.s32 $0x100;
	s20 =	simm.s32 $0x200;
	s21 =	simm.s32 $0x2  }
0x8: {  	s22 =	simm.s32 $0x3;
	s23 =	simm.s32 $0x4;
	s24 =	simm.s32 $0x0  }
0x9: {  	s8 =	smul.u32 $0x13C00, s1;
	s9 =	sand.u32 $0x1, s5;
	[smem:$0x7FF] =	sst s4  }
0xa: {  	s5 =	sadd.s32 $0x4200, s7;
	s6 =	sadd.s32 $0xE200, s7;
	s12 =	smul.u32 $0x4F000, s1  }
0xb: {  	s26 =	sshll.u32 s1, $0x1;
	s31 =	sshll.u32 s1, $0x6;
	s10 =	smul.u32 $0x13C000, s9  }
0xc: {  	_ =	strace $0x8000004A;
	s28 =	ssub.s32 $0x2, s9;
	s14 =	sor.u32 s9, s26  }
0xd: {  	s11 =	sshrl.u32 s8, $0x3;
	s29 =	sshrl.u32 s28, $0x1;
	s30 =	sshrl.u32 s12, $0x2  }
0xe: {  	s11 =	sadd.s32 s11, s7;
	s8 =	sadd.s32 s8, s10;
	s10 =	smul.u32 $0x500, s14  }
.Ltmp0:
0xf: {  	s15 =	ssub.s32 s28, s29;
	s8 =	sshrl.u32 s8, $0x3;
	(pc) =	sbr.rel .LBB2_1-.Ltmp0, $4  }
0x10: {  	s16 =	sadd.s32 s30, s3;
	s13 =	sadd.s32 s8, s7;
	s7 =	sadd.s32 $0x18200, s11  }
0x11: {  	s8 =	sor.u32 $0x1C05, s31;
	s9 =	sadd.s32 s5, s10;
	s10 =	sadd.s32 s6, s10  }
0x12: {  	s11 =	smul.u32 $0x2800, s14;
	s14 =	sshrl.u32 s16, $0x3;
	s16 =	simm.s32 $0x80  }
0x13: {  	s12 =	sadd.s32 $0x8EA00, s13;
	s13 =	smax.u32 s15, $0x1;
	s15 =	simm.s32 $0x5  }
.LBB2_4:
0x14: {  	[spmem:s3] =	stream.indirect.scatter.add.f32 [tilespmem:s18], [sflag:$0x4], $0x80, s17, s16, $0xb8;
	[tilespmem:$0x1BE00] =	vst v63  }
0x15: {  	_ =	swait.ge [sflag:s23], $0x4000  }
0x16: {  	s24 =	sadd.s32 $0x1, s24;
	[sflag:s23] =	ssyncset.done $0x0  }
0x17: {  	p0 =	sne.s32 s24, s13;
	[sflag:s23] =	ssyncadd.s32 $0xFFFFC000  }
.Ltmp1:
0x18: {  	[bflag:$0x0] =	sbarrier.arrive $0xFFFF;
	(pc) =	sbr.rel @!p0 .LBB2_5-.Ltmp1, $4  }
0x19: {  	[hbm:s12], [sflag:s8] =	dma.local [spmem:s14], $0x2780  }
0x1a: {  	_ =	swait.ge [sflag:s15], $0x2780  }
0x1b: {  	[sflag:s15] =	ssyncset.done $0x0  }
0x1c: {  	[sflag:s15] =	ssyncadd.s32 $0xFFFFD880  }
.LBB2_1:
0x1d: {  	[spmem:s14], [sflag:s8] =	dma.local [hbm:s7], $0x2780  }
0x1e: {  	_ =	swait.ge [sflag:s15], $0x2780  }
0x1f: {  	[sflag:s15] =	ssyncset.done $0x0  }
0x20: {  	[sflag:s15] =	ssyncadd.s32 $0xFFFFD880  }
0x21: {  	s25 =	simm.s32 $0x0;
	[bflag:$0x0] =	sbarrier.arrive $0xFFFF  }
.LBB2_2:
0x22: {  	p0 =	sne.s32 s25, $0x0  }
0x23: {  	s26 =	simm.s32 @p0 $0x1  }
0x24: {  	_ =	swait.ge @p0 [sflag:s26], $0x4000  }
0x25: {  	[sflag:s26] =	ssyncset.done @p0 $0x0  }
0x26: {  	s28 =	simm.s32 @!p0 $0x5;
	[sflag:s26] =	ssyncadd.s32 @p0 $0xFFFFC000;
	s26 =	simm.s32 @!p0 $0x0  }
0x27: {  	[tilespmem:s26], [sflag:$0x5] =	stream.linear.gather @!p0 [hbm4b:s9+s26], $0x80, $0x38;
	[tilespmem:$0x1BE00] =	vst v63  }
0x28: {  	_ =	swait.ge @!p0 [sflag:s28], $0x80  }
0x29: {  	[sflag:s28] =	ssyncset.done @!p0 $0x0  }
0x2a: {  	s29 =	simm.s32 @!p0 $0x100;
	[sflag:s28] =	ssyncadd.s32 @!p0 $0xFFFFFF80  }
0x2b: {  	[tilespmem:s29], [sflag:$0x5] =	stream.linear.gather @!p0 [hbm4b:s10+s26], $0x80, $0x38;
	[tilespmem:$0x1BE00] =	vst v63  }
0x2c: {  	_ =	swait.ge @!p0 [sflag:s28], $0x80  }
0x2d: {  	[sflag:s28] =	ssyncset.done @!p0 $0x0  }
0x2e: {  	s29 =	simm.s32 @!p0 $0x200;
	[sflag:s28] =	ssyncadd.s32 @!p0 $0xFFFFFF80;
	s28 =	simm.s32 @!p0 $0x80  }
0x2f: {  	[tilespmem:s29], [sflag:$0x1] =	stream.indirect.gather @!p0 [hbm4b:s2+s28], $0x80, s26, s28, $0xb8;
	[tilespmem:$0x1BE00] =	vst v63  }
0x30: {  	s29 =	sand.u32 $0x3C00, s25  }
0x31: {  	s30 =	sand.u32 $0x300, s25;
	s28 =	simm.s32 @!p0 $0x1;
	s26 =	sadd.s32 s11, s29  }
0x32: {  	s28 =	simm.s32 @p0 $0x4;
	s26 =	sor.u32 s26, s30  }
0x33: {  	_ =	swait.ge [sflag:s28], $0x4000;
	s26 =	sor.u32 $0x80, s26  }
0x34: {  	[sflag:s28] =	ssyncset.done $0x0;
	s26 =	sshrl.u32 s26, $0x3  }
0x35: {  	[sflag:s28] =	ssyncadd.s32 $0xFFFFC000;
	s31 =	sadd.s32 s5, s26  }
0x36: {  	[tilespmem:s16], [sflag:$0x5] =	stream.linear.gather [hbm4b:s31+s4], $0x80, $0x38;
	[tilespmem:$0x1BE00] =	vst v63  }
0x37: {  	_ =	swait.ge [sflag:s15], $0x80  }
0x38: {  	[sflag:s15] =	ssyncset.done $0x0  }
0x39: {  	s26 =	sadd.s32 s6, s26;
	[sflag:s15] =	ssyncadd.s32 $0xFFFFFF80  }
0x3a: {  	[tilespmem:s17], [sflag:$0x5] =	stream.linear.gather [hbm4b:s26+s4], $0x80, $0x38;
	[tilespmem:$0x1BE00] =	vst v63  }
0x3b: {  	_ =	swait.ge [sflag:s15], $0x80  }
0x3c: {  	[sflag:s15] =	ssyncset.done $0x0  }
0x3d: {  	[sflag:s15] =	ssyncadd.s32 $0xFFFFFF80  }
0x3e: {  	[tilespmem:s18], [sflag:$0x2] =	stream.indirect.gather [hbm4b:s2+s16], $0x80, s16, s16, $0xb8;
	[tilespmem:$0x1BE00] =	vst v63  }
0x3f: {  	_ = 	snop  }
0x40: {  	[spmem:s3] =	stream.indirect.scatter.add.f32 [tilespmem:s20], [sflag:$0x3], $0x80, s19, s16, $0xb8;
	[tilespmem:$0x1BE00] =	vst v63  }
0x41: {  	p0 =	seq.s32 s25, $0x2700;
	_ =	swait.ge [sflag:s21], $0x4000  }
.Ltmp2:
0x42: {  	[sflag:s21] =	ssyncset.done $0x0;
	(pc) =	sbr.rel @p0 .LBB2_4-.Ltmp2, $4  }
0x43: {  	[sflag:s21] =	ssyncadd.s32 $0xFFFFC000  }
0x44: {  	_ =	swait.ge [sflag:s22], $0x4000  }
0x45: {  	[sflag:s22] =	ssyncset.done $0x0  }
0x46: {  	[sflag:s22] =	ssyncadd.s32 $0xFFFFC000  }
0x47: {  	s25 =	sadd.s32 $0x100, s25  }
0x48: {  	s26 =	sand.u32 $0x7C00, s25  }
0x49: {  	s28 =	sand.u32 $0x300, s25;
	s26 =	sadd.s32 s11, s26  }
0x4a: {  	s26 =	sor.u32 s28, s26  }
0x4b: {  	s26 =	sshrl.u32 s26, $0x3  }
0x4c: {  	s31 =	sadd.s32 s5, s26  }
0x4d: {  	[tilespmem:s4], [sflag:$0x5] =	stream.linear.gather [hbm4b:s31+s4], $0x80, $0x38;
	[tilespmem:$0x1BE00] =	vst v63  }
0x4e: {  	_ =	swait.ge [sflag:s15], $0x80  }
0x4f: {  	[sflag:s15] =	ssyncset.done $0x0  }
0x50: {  	s26 =	sadd.s32 s6, s26;
	[sflag:s15] =	ssyncadd.s32 $0xFFFFFF80  }
0x51: {  	[tilespmem:s19], [sflag:$0x5] =	stream.linear.gather [hbm4b:s26+s4], $0x80, $0x38;
	[tilespmem:$0x1BE00] =	vst v63  }
0x52: {  	_ =	swait.ge [sflag:s15], $0x80  }
.Ltmp3:
0x53: {  	[sflag:s15] =	ssyncset.done $0x0;
	(pc) =	sbr.rel .LBB2_2-.Ltmp3, $4  }
0x54: {  	[sflag:s15] =	ssyncadd.s32 $0xFFFFFF80  }
0x55: {  	[tilespmem:s20], [sflag:$0x1] =	stream.indirect.gather [hbm4b:s2+s16], $0x80, s4, s16, $0xb8;
	[tilespmem:$0x1BE00] =	vst v63  }
0x56: {  	_ = 	snop  }
0x57: {  	[spmem:s3] =	stream.indirect.scatter.add.f32 [tilespmem:s18], [sflag:$0x4], $0x80, s17, s16, $0xb8;
	[tilespmem:$0x1BE00] =	vst v63  }
.LBB2_5:
0x58: {  	_ =	sfence.sel $0x180000  }
0x59: {  	[bflag:$0x0] =	sbarrier.arrive $0xFFFF  }
0x5a: {  	p0 =	sne.s32 s1, $0x0;
	_ =	strace $0x9000004A  }
0x5b: {  	s0 =	sadd.s32 @!p0 $0x100000, s0;
	[bflag:$0x2] =	sbarrier.arrive $0xFFFF  }
0x5c: {  	[sflag:s0] =	ssyncadd.tile.s32 @!p0 $0x1;
	_ =	shalt  }
.Lfunc_end2:
_tile_overlayer_lowered:
.L_overlay_start_2:
0x5d: {  	(tag) =	ssettag $0x2  }
0x5e: {  	s0 =	rddreg [dreg:$0x0];
	s2 =	stileid.u32  }
0x5f: {  	s1 =	rddreg [dreg:$0x1];
	p0 =	sne.s32 s2, $0x0  }
0x60: {  	s3 =	rddreg [dreg:$0x2];
	[bflag:$0x3] =	sbarrier.arrive $0xFFFF;
	s2 =	simm.s32 @!p0 $0x1C05  }
0x61: {  	[timem:s3], [sflag:s2] =	dma.local @!p0 [hbm:s0], s1  }
0x62: {  	s0 =	simm.s32 @!p0 $0x5  }
0x63: {  	_ =	swait.ge @!p0 [sflag:s0], s1  }
0x64: {  	s1 =	ssub.s32 @!p0 $0x0, s1;
	[sflag:s0] =	ssyncset.done @!p0 $0x0  }
0x65: {  	[sflag:s0] =	ssyncadd.s32 @!p0 s1  }
0x66: {  	[bflag:$0x3] =	sbarrier.arrive $0xFFFF  }
0x67: {  	_ =	shalt  }

// kernel: kernel.15.cloned.1.call-start
scs
__scs_entry_jumppad:
0x0: {  	(pc) =	sbr.rel $0x88, $3  }
0x1: {  	(tag) =	ssettag $0x0;
	lr =	simm.s32 $0x1  }
0x2: {  	[smem:$0x3F96] =	sst lr;
	_ =	strace $0xD0000000  }
0x3: {  	_ = 	snop  }
0x4: {  	_ = 	snop  }
0x5: {  	_ = 	snop  }
0x6: {  	_ = 	snop  }
0x7: {  	_ = 	snop  }
__scs_overlays_trampoline_lowered:
0x8: {  	[smem:$0x3FA5] =	sst s0  }
0x9: {  	[smem:$0x3FA6] =	sst s1  }
0xa: {  	[smem:$0x3FA7] =	sst s2  }
0xb: {  	[smem:$0x3FA8] =	sst s3  }
0xc: {  	[smem:$0x3FA9] =	sst s4  }
0xd: {  	[smem:$0x3FAA] =	sst s5  }
0xe: {  	[smem:$0x3FAB] =	sst s6  }
0xf: {  	[smem:$0x3FAC] =	sst s7  }
0x10: {  	[smem:$0x3FAD] =	sst s8  }
0x11: {  	[smem:$0x3FAE] =	sst s9;
	s0 =	simm.s32 @!p0 $0x0  }
0x12: {  	s1 =	sld [smem:$0x3F94];
	s0 =	simm.s32 @p0 $0x1  }
0x13: {  	[smem:$0x3FAF] =	sst s0;
	s0 =	simm.s32 @!p1 $0x0  }
0x14: {  	s2 =	sld [smem:$0x3F93];
	s0 =	simm.s32 @p1 $0x1  }
0x15: {  	[smem:$0x3FB0] =	sst s0;
	s0 =	simm.s32 @!p2 $0x0  }
0x16: {  	s3 =	sld [smem:$0x3FDB];
	s0 =	simm.s32 @p2 $0x1  }
0x17: {  	s4 =	simm.s32 $0x1BF5;
	[smem:$0x3FB2] =	sst s0  }
0x18: {  	s0 =	sld [smem:$0x3F95];
	_ =	swait.ge [sflag:s4], $0x0  }
0x19: {  	s7 =	sld [smem:$0x3F96]  }
0x1a: {  	s8 =	sadd.s32 $0xFFFFE003, lr  }
0x1b: {  	s9 =	sadd.s32 $0xFFFFFEF7, lr;
	s5 =	simm.s32 $0xFFFFFFFF;
	p2 =	slt.u32 s8, $0xFFFFF086  }
0x1c: {  	p1 =	slt.u32 s9, $0xF7A;
	s5 =	simm.s32 @!p2 $0x0  }
0x1d: {  	s5 =	simm.s32 @p1 $0x1;
	p0 =	seq.s32 s7, s2  }
0x1e: {  	s7 =	smul.u32 @!p0 $0xF7A, s2;
	p2 =	seq.s32 @!p0 s5, $0x0  }
0x1f: {  	s9 =	smul.u32 $0xF7A, s1;
	s8 =	simm.s32 @!p0 $0x1BF5;
	p2 =	por !p2, p0  }
0x20: {  	[sflag:s8] =	ssyncset.s32 @!p0 $0xFFFFF086;
	s6 =	sadd.s32 @!p0 s3, s7;
	s7 =	simm.s32 @!p0 $0x108  }
0x21: {  	s3 =	sadd.s32 s3, s9;
	s6 =	sadd.s32 @!p0 $0x88, s6;
	s7 =	simm.s32 @p2 $0x1082  }
0x22: {  	[simem:s7], [sflag:s8] =	dma.local @!p0 [hbm:s6], $0xF7A  }
0x23: {  	s9 =	sor.u32 $0xD0000000, s2;
	s6 =	simm.s32 $0x108;
	_ =	swait.ge @!p0 [sflag:s8], $0x0  }
0x24: {  	s3 =	sadd.s32 $0x88, s3;
	s6 =	simm.s32 @!p1 $0x1082;
	[sflag:s4] =	ssyncset.s32 $0xFFFFF086  }
0x25: {  	[simem:s6], [sflag:s4] =	dma.local [hbm:s3], $0xF7A  }
0x26: {  	[smem:$0x3F96] =	sst s1;
	(tag) =	ssettag s2;
	_ =	strace s9  }
0x27: {  	s1 =	sld [smem:$0x3FA6]  }
0x28: {  	s2 =	sld [smem:$0x3FA7]  }
0x29: {  	s4 =	sld [smem:$0x3FA9]  }
0x2a: {  	p0 =	seq.s32 s5, $0x0;
	s5 =	sld [smem:$0x3FAA]  }
0x2b: {  	s6 =	sld [smem:$0x3FAB]  }
0x2c: {  	s7 =	sld [smem:$0x3FAC]  }
0x2d: {  	s3 =	simm.s32 $0x108;
	s8 =	sld [smem:$0x3FAD]  }
0x2e: {  	s3 =	simm.s32 @!p0 $0x1082;
	s9 =	sld [smem:$0x3FAE]  }
0x2f: {  	lr =	sadd.s32 s0, s3;
	s0 =	sld [smem:$0x3FA5]  }
0x30: {  	s3 =	sld [smem:$0x3FA8]  }
0x31: {  	[smem:$0x3FB1] =	sst s10  }
0x32: {  	s10 =	sld [smem:$0x3FAF];
	_ =	sdelay $0x3  }
0x33: {  	p0 =	seq.s32 s10, $0x1;
	s10 =	sld [smem:$0x3FB1];
	_ =	sdelay $0x3  }
0x34: {  	[smem:$0x3FB1] =	sst s10  }
0x35: {  	s10 =	sld [smem:$0x3FB0];
	_ =	sdelay $0x3  }
0x36: {  	p1 =	seq.s32 s10, $0x1;
	s10 =	sld [smem:$0x3FB1];
	_ =	sdelay $0x3  }
0x37: {  	[smem:$0x3FB1] =	sst s10  }
0x38: {  	s10 =	sld [smem:$0x3FB2]  }
0x39: {  	_ = 	snop;
	(pc) =	sbr.ind lr, $3  }
0x3a: {  	_ = 	snop  }
0x3b: {  	_ = 	snop  }
0x3c: {  	p2 =	seq.s32 s10, $0x1;
	s10 =	sld [smem:$0x3FB1]  }
0x3d: {  	_ =	shalt  }
0x3e: {  	_ =	shalt  }
0x3f: {  	_ =	shalt  }
0x40: {  	_ =	shalt  }
0x41: {  	_ =	shalt  }
0x42: {  	_ =	shalt  }
0x43: {  	_ =	shalt  }
0x44: {  	_ =	shalt  }
0x45: {  	_ =	shalt  }
0x46: {  	_ =	shalt  }
0x47: {  	_ =	shalt  }
0x48: {  	_ =	shalt  }
0x49: {  	_ =	shalt  }
0x4a: {  	_ =	shalt  }
0x4b: {  	_ =	shalt  }
0x4c: {  	_ =	shalt  }
0x4d: {  	_ =	shalt  }
0x4e: {  	_ =	shalt  }
0x4f: {  	_ =	shalt  }
0x50: {  	_ =	shalt  }
0x51: {  	_ =	shalt  }
0x52: {  	_ =	shalt  }
0x53: {  	_ =	shalt  }
0x54: {  	_ =	shalt  }
0x55: {  	_ =	shalt  }
0x56: {  	_ =	shalt  }
0x57: {  	_ =	shalt  }
0x58: {  	_ =	shalt  }
0x59: {  	_ =	shalt  }
0x5a: {  	_ =	shalt  }
0x5b: {  	_ =	shalt  }
0x5c: {  	_ =	shalt  }
0x5d: {  	_ =	shalt  }
0x5e: {  	_ =	shalt  }
0x5f: {  	_ =	shalt  }
0x60: {  	_ =	shalt  }
0x61: {  	_ =	shalt  }
0x62: {  	_ =	shalt  }
0x63: {  	_ =	shalt  }
0x64: {  	_ =	shalt  }
0x65: {  	_ =	shalt  }
0x66: {  	_ =	shalt  }
0x67: {  	_ =	shalt  }
0x68: {  	_ =	shalt  }
0x69: {  	_ =	shalt  }
0x6a: {  	_ =	shalt  }
0x6b: {  	_ =	shalt  }
0x6c: {  	_ =	shalt  }
0x6d: {  	_ =	shalt  }
0x6e: {  	_ =	shalt  }
0x6f: {  	_ =	shalt  }
0x70: {  	_ =	shalt  }
0x71: {  	_ =	shalt  }
0x72: {  	_ =	shalt  }
0x73: {  	_ =	shalt  }
0x74: {  	_ =	shalt  }
0x75: {  	_ =	shalt  }
0x76: {  	_ =	shalt  }
0x77: {  	_ =	shalt  }
0x78: {  	_ =	shalt  }
0x79: {  	_ =	shalt  }
0x7a: {  	_ =	shalt  }
0x7b: {  	_ =	shalt  }
0x7c: {  	_ =	shalt  }
0x7d: {  	_ =	shalt  }
0x7e: {  	_ =	shalt  }
0x7f: {  	_ =	shalt  }
0x80: {  	_ =	shalt  }
0x81: {  	_ =	shalt  }
0x82: {  	_ =	shalt  }
0x83: {  	_ =	shalt  }
0x84: {  	_ =	shalt  }
0x85: {  	_ =	shalt  }
0x86: {  	_ =	shalt  }
0x87: {  	_ =	shalt  }
.Lfunc_end0:
.L_simem_size_0:
called_computation.2_lowered:
.L_overlay_start_0:
0x88: {  	s2 =	sld [smem:$0x3FD9]  }
0x89: {  	s3 =	sld [smem:$0x3FFE];
	_ =	sdelay $0x1  }
0x8a: {  	s1 =	srdreg.scid  }
0x8b: {  	s0 =	sand.u32 $0x1, s1  }
0x8c: {  	s16 =	sshll.u32 s0, $0xA;
	s2 =	sadd.s32 s3, s2  }
0x8d: {  	s2 =	sadd.s32 s2, s16  }
0x8e: {  	[smem:$0x3FBD] =	sst s2  }
0x8f: {  	_ = 	snop  }
0x90: {  	(tm) =	ssettm $0x1  }
0x91: {  	s17 =	sld [smem:$0x3FFB];
	_ =	sdelay $0x3  }
0x92: {  	_ =	strace s17  }
0x93: {  	s2 =	sld [smem:$0x3FFC];
	_ =	sdelay $0x3  }
0x94: {  	_ =	strace s2  }
0x95: {  	s2 =	sld [smem:$0x3FFD];
	_ =	sdelay $0x3  }
0x96: {  	_ =	strace s2  }
0x97: {  	_ =	strace $0x8FFFFFFF  }
0x98: {  	s18 =	sld [smem:$0x3FDB];
	_ =	sdelay $0x1  }
0x99: {  	s19 =	simm.s32 $_scs_section_size  }
0x9a: {  	s4 =	simm.s32 $_size__tile_overlayer_lowered;
	s5 =	simm.s32 $_tile_overlayer_lowered  }
0x9b: {  	s22 =	simm.s32 $0x1BFF;
	s21 =	sshll.u32 s5, $0x1;
	s2 =	sadd.s32 s19, s18  }
0x9c: {  	s6 =	simm.s32 $0x0;
	s20 =	sshll.u32 s4, $0x1;
	s4 =	sadd.s32 s21, s2  }
0x9d: {  	[timem:s6], [sflag:s22] =	dma.local [hbm:s4], s20  }
0x9e: {  	_ =	swait.ge [sflag:s22], s20  }
0x9f: {  	s3 =	ssub.s32 $0x0, s20;
	[sflag:s22] =	ssyncset.done $0x0  }
0xa0: {  	[sflag:s22] =	ssyncadd.s32 s3;
	_ =	sdelay $0x1  }
0xa1: {  	s23 =	simm.s32 $0x1B8B  }
0xa2: {  	_ =	swait.ge [sflag:s23], $0x1  }
0xa3: {  	[sflag:s23] =	ssyncset.done $0x0  }
0xa4: {  	s25 =	simm.s32 $0x1B8E;
	s24 =	sld [smem:$0x3FFE];
	[sflag:s23] =	ssyncadd.s32 $0xFFFFFFFF  }
0xa5: {  	s26 =	simm.s32 $execute0_lowered;
	[smem:$0x3FD2] =	sst s25  }
0xa6: {  	s4 =	sshll.u32 s26, $0x1;
	_ =	strace $0x8000004C;
	[dreg:$0x1] =	wrdreg $0xFFFFFFFF  }
0xa7: {  	s28 =	simm.s32 $_size_execute0_lowered;
	s2 =	sadd.s32 s2, s4;
	[dreg:$0x0] =	wrdreg $0x0  }
0xa8: {  	s4 =	sshll.u32 s28, $0x1;
	[dreg:$0x2] =	wrdreg s2  }
0xa9: {  	[dreg:$0x3] =	wrdreg s4  }
0xaa: {  	[dreg:$0x4] =	wrdreg $0xC0  }
0xab: {  	_ =	task [dreg:s6], $0x5FFFF  }
0xac: {  	[dreg:$0x1] =	wrdreg $0xFFFFFFFF  }
0xad: {  	[dreg:$0x0] =	wrdreg $0x60  }
0xae: {  	[dreg:$0x2] =	wrdreg s24  }
0xaf: {  	[dreg:$0x3] =	wrdreg $0x82000  }
0xb0: {  	[dreg:$0x4] =	wrdreg $0x9  }
0xb1: {  	_ =	task.clear_ibuf [dreg:s6], $0x5FFFF;
	_ =	strace $0x9000004C  }
0xb2: {  	s29 =	simm.s32 $0x9;
	_ =	strace $0x8000004E  }
0xb3: {  	_ =	swait.ge [sflag:s29], $0x1  }
0xb4: {  	[sflag:s29] =	ssyncadd.s32 $0xFFFFFFFF  }
0xb5: {  	_ =	strace $0x9000004E  }
0xb6: {  	_ =	sfence  }
0xb7: {  	s30 =	sld [smem:$0x0];
	_ =	sdelay $0x2  }
0xb8: {  	s31 =	sshll.u32 s1, $0xD;
	s1 =	sshrl.u32 s1, $0x2  }
0xb9: {  	s3 =	sand.u32 $0x4000, s31;
	s1 =	sadd.s32 s1, s30  }
0xba: {  	s0 =	sor.u32 s3, s0;
	s1 =	sshll.u32 s1, $0x11  }
0xbb: {  	s0 =	sor.u32 s1, s0  }
0xbc: {  	s0 =	sadd.s32 $0x8F2B, s0  }
0xbd: {  	[sflag:s0] =	ssyncadd.remote.s32 $0x1  }
0xbe: {  	_ =	sfence.sel $0xFFFF  }
0xbf: {  	[dreg:$0x0] =	wrdreg $0xFFFFFFFF;
	(pc) =	sbr.abs _section_cstart, $3  }
0xc0: {  	[dreg:$0x1] =	wrdreg $0xFFFFFFFF  }
0xc1: {  	_ =	task.clear_ibuf [dreg:s6], $0x2FFFF;
	_ =	strace $0x9FFFFFFF  }
0xc2: {  	(tm) =	ssettm $0x7FFFFFFF  }
0xc3: {  	_ =	shalt  }
tec
execute0_lowered:
.L_overlay_start_1:
0x0: {  	(tag) =	ssettag $0x1  }
0x1: {  	s7 =	rddreg [dreg:$0x0]  }
0x2: {  	s2 =	rddreg [dreg:$0x1]  }
0x3: {  	s0 =	rddreg [dreg:$0x2]  }
0x4: {  	s3 =	simm.s32 $0x0;
	s1 =	stileid.u32;
	s4 =	srdreg.scid  }
0x5: {  	s17 =	simm.s32 $0x180;
	s18 =	simm.s32 $0x4200;
	s19 =	simm.s32 $0x100  }
0x6: {  	s20 =	simm.s32 $0x200;
	s21 =	simm.s32 $0x2;
	s22 =	simm.s32 $0x3  }
0x7: {  	s23 =	simm.s32 $0x4;
	s24 =	simm.s32 $0x0;
	[smem:$0x7FF] =	sst s3  }
0x8: {  	s8 =	smul.u32 $0x13C00, s1;
	s9 =	sand.u32 $0x1, s4;
	s4 =	sadd.s32 $0x3FA00, s7  }
0x9: {  	s5 =	sadd.s32 $0x4200, s7;
	s6 =	sadd.s32 $0xE200, s7;
	s26 =	sshll.u32 s1, $0x1  }
0xa: {  	s12 =	smul.u32 $0x4F000, s1;
	s31 =	sshll.u32 s1, $0x6;
	_ =	strace $0x8000004D  }
0xb: {  	s10 =	smul.u32 $0x13C000, s9;
	s28 =	ssub.s32 $0x2, s9;
	s14 =	sor.u32 s9, s26  }
0xc: {  	s11 =	sshrl.u32 s8, $0x3;
	s29 =	sshrl.u32 s28, $0x1;
	s30 =	sshrl.u32 s12, $0x2  }
0xd: {  	s11 =	sadd.s32 s11, s7;
	s8 =	sadd.s32 s8, s10;
	s10 =	smul.u32 $0x500, s14  }
.Ltmp0:
0xe: {  	s15 =	ssub.s32 s28, s29;
	s8 =	sshrl.u32 s8, $0x3;
	(pc) =	sbr.rel .LBB2_1-.Ltmp0, $4  }
0xf: {  	s16 =	sadd.s32 s30, s2;
	s13 =	sadd.s32 s8, s7;
	s7 =	sadd.s32 $0x18200, s11  }
0x10: {  	s8 =	sor.u32 $0x1C05, s31;
	s9 =	sadd.s32 s5, s10;
	s10 =	sadd.s32 s6, s10  }
0x11: {  	s11 =	smul.u32 $0x2800, s14;
	s14 =	sshrl.u32 s16, $0x3;
	s16 =	simm.s32 $0x80  }
0x12: {  	s12 =	sadd.s32 $0x66C00, s13;
	s13 =	smax.u32 s15, $0x1;
	s15 =	simm.s32 $0x5  }
.LBB2_4:
0x13: {  	[spmem:s2] =	stream.indirect.scatter.add.f32 [tilespmem:s18], [sflag:$0x4], $0x80, s17, s16, $0xb8;
	[tilespmem:$0x1BE00] =	vst v63  }
0x14: {  	_ =	swait.ge [sflag:s23], $0x4000  }
0x15: {  	s24 =	sadd.s32 $0x1, s24;
	[sflag:s23] =	ssyncset.done $0x0  }
0x16: {  	p0 =	sne.s32 s24, s13;
	[sflag:s23] =	ssyncadd.s32 $0xFFFFC000  }
.Ltmp1:
0x17: {  	[bflag:$0x0] =	sbarrier.arrive $0xFFFF;
	(pc) =	sbr.rel @!p0 .LBB2_5-.Ltmp1, $4  }
0x18: {  	[hbm:s12], [sflag:s8] =	dma.local [spmem:s14], $0x2780  }
0x19: {  	_ =	swait.ge [sflag:s15], $0x2780  }
0x1a: {  	[sflag:s15] =	ssyncset.done $0x0  }
0x1b: {  	[sflag:s15] =	ssyncadd.s32 $0xFFFFD880  }
.LBB2_1:
0x1c: {  	[spmem:s14], [sflag:s8] =	dma.local [hbm:s7], $0x2780  }
0x1d: {  	_ =	swait.ge [sflag:s15], $0x2780  }
0x1e: {  	[sflag:s15] =	ssyncset.done $0x0  }
0x1f: {  	[sflag:s15] =	ssyncadd.s32 $0xFFFFD880  }
0x20: {  	s25 =	simm.s32 $0x0;
	[bflag:$0x0] =	sbarrier.arrive $0xFFFF  }
.LBB2_2:
0x21: {  	p0 =	sne.s32 s25, $0x0  }
0x22: {  	s26 =	simm.s32 @p0 $0x1  }
0x23: {  	_ =	swait.ge @p0 [sflag:s26], $0x4000  }
0x24: {  	[sflag:s26] =	ssyncset.done @p0 $0x0  }
0x25: {  	s28 =	simm.s32 @!p0 $0x5;
	[sflag:s26] =	ssyncadd.s32 @p0 $0xFFFFC000;
	s26 =	simm.s32 @!p0 $0x0  }
0x26: {  	[tilespmem:s26], [sflag:$0x5] =	stream.linear.gather @!p0 [hbm4b:s9+s26], $0x80, $0x38;
	[tilespmem:$0x1BE00] =	vst v63  }
0x27: {  	_ =	swait.ge @!p0 [sflag:s28], $0x80  }
0x28: {  	[sflag:s28] =	ssyncset.done @!p0 $0x0  }
0x29: {  	s29 =	simm.s32 @!p0 $0x100;
	[sflag:s28] =	ssyncadd.s32 @!p0 $0xFFFFFF80  }
0x2a: {  	[tilespmem:s29], [sflag:$0x5] =	stream.linear.gather @!p0 [hbm4b:s10+s26], $0x80, $0x38;
	[tilespmem:$0x1BE00] =	vst v63  }
0x2b: {  	_ =	swait.ge @!p0 [sflag:s28], $0x80  }
0x2c: {  	[sflag:s28] =	ssyncset.done @!p0 $0x0  }
0x2d: {  	s29 =	simm.s32 @!p0 $0x200;
	[sflag:s28] =	ssyncadd.s32 @!p0 $0xFFFFFF80;
	s28 =	simm.s32 @!p0 $0x80  }
0x2e: {  	[tilespmem:s29], [sflag:$0x1] =	stream.indirect.gather @!p0 [hbm4b:s4+s28], $0x80, s26, s28, $0xb8;
	[tilespmem:$0x1BE00] =	vst v63  }
0x2f: {  	s29 =	sand.u32 $0x3C00, s25  }
0x30: {  	s30 =	sand.u32 $0x300, s25;
	s28 =	simm.s32 @!p0 $0x1;
	s26 =	sadd.s32 s11, s29  }
0x31: {  	s28 =	simm.s32 @p0 $0x4;
	s26 =	sor.u32 s26, s30  }
0x32: {  	_ =	swait.ge [sflag:s28], $0x4000;
	s26 =	sor.u32 $0x80, s26  }
0x33: {  	[sflag:s28] =	ssyncset.done $0x0;
	s26 =	sshrl.u32 s26, $0x3  }
0x34: {  	[sflag:s28] =	ssyncadd.s32 $0xFFFFC000;
	s31 =	sadd.s32 s5, s26  }
0x35: {  	[tilespmem:s16], [sflag:$0x5] =	stream.linear.gather [hbm4b:s31+s3], $0x80, $0x38;
	[tilespmem:$0x1BE00] =	vst v63  }
0x36: {  	_ =	swait.ge [sflag:s15], $0x80  }
0x37: {  	[sflag:s15] =	ssyncset.done $0x0  }
0x38: {  	s26 =	sadd.s32 s6, s26;
	[sflag:s15] =	ssyncadd.s32 $0xFFFFFF80  }
0x39: {  	[tilespmem:s17], [sflag:$0x5] =	stream.linear.gather [hbm4b:s26+s3], $0x80, $0x38;
	[tilespmem:$0x1BE00] =	vst v63  }
0x3a: {  	_ =	swait.ge [sflag:s15], $0x80  }
0x3b: {  	[sflag:s15] =	ssyncset.done $0x0  }
0x3c: {  	[sflag:s15] =	ssyncadd.s32 $0xFFFFFF80  }
0x3d: {  	[tilespmem:s18], [sflag:$0x2] =	stream.indirect.gather [hbm4b:s4+s16], $0x80, s16, s16, $0xb8;
	[tilespmem:$0x1BE00] =	vst v63  }
0x3e: {  	_ = 	snop  }
0x3f: {  	[spmem:s2] =	stream.indirect.scatter.add.f32 [tilespmem:s20], [sflag:$0x3], $0x80, s19, s16, $0xb8;
	[tilespmem:$0x1BE00] =	vst v63  }
0x40: {  	p0 =	seq.s32 s25, $0x2700;
	_ =	swait.ge [sflag:s21], $0x4000  }
.Ltmp2:
0x41: {  	[sflag:s21] =	ssyncset.done $0x0;
	(pc) =	sbr.rel @p0 .LBB2_4-.Ltmp2, $4  }
0x42: {  	[sflag:s21] =	ssyncadd.s32 $0xFFFFC000  }
0x43: {  	_ =	swait.ge [sflag:s22], $0x4000  }
0x44: {  	[sflag:s22] =	ssyncset.done $0x0  }
0x45: {  	[sflag:s22] =	ssyncadd.s32 $0xFFFFC000  }
0x46: {  	s25 =	sadd.s32 $0x100, s25  }
0x47: {  	s26 =	sand.u32 $0x7C00, s25  }
0x48: {  	s28 =	sand.u32 $0x300, s25;
	s26 =	sadd.s32 s11, s26  }
0x49: {  	s26 =	sor.u32 s28, s26  }
0x4a: {  	s26 =	sshrl.u32 s26, $0x3  }
0x4b: {  	s31 =	sadd.s32 s5, s26  }
0x4c: {  	[tilespmem:s3], [sflag:$0x5] =	stream.linear.gather [hbm4b:s31+s3], $0x80, $0x38;
	[tilespmem:$0x1BE00] =	vst v63  }
0x4d: {  	_ =	swait.ge [sflag:s15], $0x80  }
0x4e: {  	[sflag:s15] =	ssyncset.done $0x0  }
0x4f: {  	s26 =	sadd.s32 s6, s26;
	[sflag:s15] =	ssyncadd.s32 $0xFFFFFF80  }
0x50: {  	[tilespmem:s19], [sflag:$0x5] =	stream.linear.gather [hbm4b:s26+s3], $0x80, $0x38;
	[tilespmem:$0x1BE00] =	vst v63  }
0x51: {  	_ =	swait.ge [sflag:s15], $0x80  }
.Ltmp3:
0x52: {  	[sflag:s15] =	ssyncset.done $0x0;
	(pc) =	sbr.rel .LBB2_2-.Ltmp3, $4  }
0x53: {  	[sflag:s15] =	ssyncadd.s32 $0xFFFFFF80  }
0x54: {  	[tilespmem:s20], [sflag:$0x1] =	stream.indirect.gather [hbm4b:s4+s16], $0x80, s3, s16, $0xb8;
	[tilespmem:$0x1BE00] =	vst v63  }
0x55: {  	_ = 	snop  }
0x56: {  	[spmem:s2] =	stream.indirect.scatter.add.f32 [tilespmem:s18], [sflag:$0x4], $0x80, s17, s16, $0xb8;
	[tilespmem:$0x1BE00] =	vst v63  }
.LBB2_5:
0x57: {  	_ =	sfence.sel $0x180000  }
0x58: {  	[bflag:$0x0] =	sbarrier.arrive $0xFFFF  }
0x59: {  	p0 =	sne.s32 s1, $0x0;
	_ =	strace $0x9000004D  }
0x5a: {  	s0 =	sadd.s32 @!p0 $0x100000, s0;
	[bflag:$0x2] =	sbarrier.arrive $0xFFFF  }
0x5b: {  	[sflag:s0] =	ssyncadd.tile.s32 @!p0 $0x1;
	_ =	shalt  }
.Lfunc_end2:
_tile_overlayer_lowered:
.L_overlay_start_2:
0x5c: {  	(tag) =	ssettag $0x2  }
0x5d: {  	s0 =	rddreg [dreg:$0x0];
	s2 =	stileid.u32  }
0x5e: {  	s1 =	rddreg [dreg:$0x1];
	p0 =	sne.s32 s2, $0x0  }
0x5f: {  	s3 =	rddreg [dreg:$0x2];
	[bflag:$0x3] =	sbarrier.arrive $0xFFFF;
	s2 =	simm.s32 @!p0 $0x1C05  }
0x60: {  	[timem:s3], [sflag:s2] =	dma.local @!p0 [hbm:s0], s1  }
0x61: {  	s0 =	simm.s32 @!p0 $0x5  }
0x62: {  	_ =	swait.ge @!p0 [sflag:s0], s1  }
0x63: {  	s1 =	ssub.s32 @!p0 $0x0, s1;
	[sflag:s0] =	ssyncset.done @!p0 $0x0  }
0x64: {  	[sflag:s0] =	ssyncadd.s32 @!p0 s1  }
0x65: {  	[bflag:$0x3] =	sbarrier.arrive $0xFFFF  }
0x66: {  	_ =	shalt  }

// kernel: kernel.18.cloned.1.call-start
scs
__scs_entry_jumppad:
0x0: {  	(pc) =	sbr.rel $0x88, $3  }
0x1: {  	(tag) =	ssettag $0x0;
	lr =	simm.s32 $0x1  }
0x2: {  	[smem:$0x3F96] =	sst lr;
	_ =	strace $0xD0000000  }
0x3: {  	_ = 	snop  }
0x4: {  	_ = 	snop  }
0x5: {  	_ = 	snop  }
0x6: {  	_ = 	snop  }
0x7: {  	_ = 	snop  }
__scs_overlays_trampoline_lowered:
0x8: {  	[smem:$0x3FA5] =	sst s0  }
0x9: {  	[smem:$0x3FA6] =	sst s1  }
0xa: {  	[smem:$0x3FA7] =	sst s2  }
0xb: {  	[smem:$0x3FA8] =	sst s3  }
0xc: {  	[smem:$0x3FA9] =	sst s4  }
0xd: {  	[smem:$0x3FAA] =	sst s5  }
0xe: {  	[smem:$0x3FAB] =	sst s6  }
0xf: {  	[smem:$0x3FAC] =	sst s7  }
0x10: {  	[smem:$0x3FAD] =	sst s8  }
0x11: {  	[smem:$0x3FAE] =	sst s9;
	s0 =	simm.s32 @!p0 $0x0  }
0x12: {  	s1 =	sld [smem:$0x3F94];
	s0 =	simm.s32 @p0 $0x1  }
0x13: {  	[smem:$0x3FAF] =	sst s0;
	s0 =	simm.s32 @!p1 $0x0  }
0x14: {  	s2 =	sld [smem:$0x3F93];
	s0 =	simm.s32 @p1 $0x1  }
0x15: {  	[smem:$0x3FB0] =	sst s0;
	s0 =	simm.s32 @!p2 $0x0  }
0x16: {  	s3 =	sld [smem:$0x3FDB];
	s0 =	simm.s32 @p2 $0x1  }
0x17: {  	s4 =	simm.s32 $0x1BF5;
	[smem:$0x3FB2] =	sst s0  }
0x18: {  	s0 =	sld [smem:$0x3F95];
	_ =	swait.ge [sflag:s4], $0x0  }
0x19: {  	s7 =	sld [smem:$0x3F96]  }
0x1a: {  	s8 =	sadd.s32 $0xFFFFE003, lr  }
0x1b: {  	s9 =	sadd.s32 $0xFFFFFEF7, lr;
	s5 =	simm.s32 $0xFFFFFFFF;
	p2 =	slt.u32 s8, $0xFFFFF086  }
0x1c: {  	p1 =	slt.u32 s9, $0xF7A;
	s5 =	simm.s32 @!p2 $0x0  }
0x1d: {  	s5 =	simm.s32 @p1 $0x1;
	p0 =	seq.s32 s7, s2  }
0x1e: {  	s7 =	smul.u32 @!p0 $0xF7A, s2;
	p2 =	seq.s32 @!p0 s5, $0x0  }
0x1f: {  	s9 =	smul.u32 $0xF7A, s1;
	s8 =	simm.s32 @!p0 $0x1BF5;
	p2 =	por !p2, p0  }
0x20: {  	[sflag:s8] =	ssyncset.s32 @!p0 $0xFFFFF086;
	s6 =	sadd.s32 @!p0 s3, s7;
	s7 =	simm.s32 @!p0 $0x108  }
0x21: {  	s3 =	sadd.s32 s3, s9;
	s6 =	sadd.s32 @!p0 $0x88, s6;
	s7 =	simm.s32 @p2 $0x1082  }
0x22: {  	[simem:s7], [sflag:s8] =	dma.local @!p0 [hbm:s6], $0xF7A  }
0x23: {  	s9 =	sor.u32 $0xD0000000, s2;
	s6 =	simm.s32 $0x108;
	_ =	swait.ge @!p0 [sflag:s8], $0x0  }
0x24: {  	s3 =	sadd.s32 $0x88, s3;
	s6 =	simm.s32 @!p1 $0x1082;
	[sflag:s4] =	ssyncset.s32 $0xFFFFF086  }
0x25: {  	[simem:s6], [sflag:s4] =	dma.local [hbm:s3], $0xF7A  }
0x26: {  	[smem:$0x3F96] =	sst s1;
	(tag) =	ssettag s2;
	_ =	strace s9  }
0x27: {  	s1 =	sld [smem:$0x3FA6]  }
0x28: {  	s2 =	sld [smem:$0x3FA7]  }
0x29: {  	s4 =	sld [smem:$0x3FA9]  }
0x2a: {  	p0 =	seq.s32 s5, $0x0;
	s5 =	sld [smem:$0x3FAA]  }
0x2b: {  	s6 =	sld [smem:$0x3FAB]  }
0x2c: {  	s7 =	sld [smem:$0x3FAC]  }
0x2d: {  	s3 =	simm.s32 $0x108;
	s8 =	sld [smem:$0x3FAD]  }
0x2e: {  	s3 =	simm.s32 @!p0 $0x1082;
	s9 =	sld [smem:$0x3FAE]  }
0x2f: {  	lr =	sadd.s32 s0, s3;
	s0 =	sld [smem:$0x3FA5]  }
0x30: {  	s3 =	sld [smem:$0x3FA8]  }
0x31: {  	[smem:$0x3FB1] =	sst s10  }
0x32: {  	s10 =	sld [smem:$0x3FAF];
	_ =	sdelay $0x3  }
0x33: {  	p0 =	seq.s32 s10, $0x1;
	s10 =	sld [smem:$0x3FB1];
	_ =	sdelay $0x3  }
0x34: {  	[smem:$0x3FB1] =	sst s10  }
0x35: {  	s10 =	sld [smem:$0x3FB0];
	_ =	sdelay $0x3  }
0x36: {  	p1 =	seq.s32 s10, $0x1;
	s10 =	sld [smem:$0x3FB1];
	_ =	sdelay $0x3  }
0x37: {  	[smem:$0x3FB1] =	sst s10  }
0x38: {  	s10 =	sld [smem:$0x3FB2]  }
0x39: {  	_ = 	snop;
	(pc) =	sbr.ind lr, $3  }
0x3a: {  	_ = 	snop  }
0x3b: {  	_ = 	snop  }
0x3c: {  	p2 =	seq.s32 s10, $0x1;
	s10 =	sld [smem:$0x3FB1]  }
0x3d: {  	_ =	shalt  }
0x3e: {  	_ =	shalt  }
0x3f: {  	_ =	shalt  }
0x40: {  	_ =	shalt  }
0x41: {  	_ =	shalt  }
0x42: {  	_ =	shalt  }
0x43: {  	_ =	shalt  }
0x44: {  	_ =	shalt  }
0x45: {  	_ =	shalt  }
0x46: {  	_ =	shalt  }
0x47: {  	_ =	shalt  }
0x48: {  	_ =	shalt  }
0x49: {  	_ =	shalt  }
0x4a: {  	_ =	shalt  }
0x4b: {  	_ =	shalt  }
0x4c: {  	_ =	shalt  }
0x4d: {  	_ =	shalt  }
0x4e: {  	_ =	shalt  }
0x4f: {  	_ =	shalt  }
0x50: {  	_ =	shalt  }
0x51: {  	_ =	shalt  }
0x52: {  	_ =	shalt  }
0x53: {  	_ =	shalt  }
0x54: {  	_ =	shalt  }
0x55: {  	_ =	shalt  }
0x56: {  	_ =	shalt  }
0x57: {  	_ =	shalt  }
0x58: {  	_ =	shalt  }
0x59: {  	_ =	shalt  }
0x5a: {  	_ =	shalt  }
0x5b: {  	_ =	shalt  }
0x5c: {  	_ =	shalt  }
0x5d: {  	_ =	shalt  }
0x5e: {  	_ =	shalt  }
0x5f: {  	_ =	shalt  }
0x60: {  	_ =	shalt  }
0x61: {  	_ =	shalt  }
0x62: {  	_ =	shalt  }
0x63: {  	_ =	shalt  }
0x64: {  	_ =	shalt  }
0x65: {  	_ =	shalt  }
0x66: {  	_ =	shalt  }
0x67: {  	_ =	shalt  }
0x68: {  	_ =	shalt  }
0x69: {  	_ =	shalt  }
0x6a: {  	_ =	shalt  }
0x6b: {  	_ =	shalt  }
0x6c: {  	_ =	shalt  }
0x6d: {  	_ =	shalt  }
0x6e: {  	_ =	shalt  }
0x6f: {  	_ =	shalt  }
0x70: {  	_ =	shalt  }
0x71: {  	_ =	shalt  }
0x72: {  	_ =	shalt  }
0x73: {  	_ =	shalt  }
0x74: {  	_ =	shalt  }
0x75: {  	_ =	shalt  }
0x76: {  	_ =	shalt  }
0x77: {  	_ =	shalt  }
0x78: {  	_ =	shalt  }
0x79: {  	_ =	shalt  }
0x7a: {  	_ =	shalt  }
0x7b: {  	_ =	shalt  }
0x7c: {  	_ =	shalt  }
0x7d: {  	_ =	shalt  }
0x7e: {  	_ =	shalt  }
0x7f: {  	_ =	shalt  }
0x80: {  	_ =	shalt  }
0x81: {  	_ =	shalt  }
0x82: {  	_ =	shalt  }
0x83: {  	_ =	shalt  }
0x84: {  	_ =	shalt  }
0x85: {  	_ =	shalt  }
0x86: {  	_ =	shalt  }
0x87: {  	_ =	shalt  }
.Lfunc_end0:
.L_simem_size_0:
called_computation.3_lowered:
.L_overlay_start_0:
0x88: {  	s2 =	sld [smem:$0x3FD9]  }
0x89: {  	s3 =	sld [smem:$0x3FFE];
	_ =	sdelay $0x1  }
0x8a: {  	s1 =	srdreg.scid  }
0x8b: {  	s0 =	sand.u32 $0x1, s1  }
0x8c: {  	s16 =	sshll.u32 s0, $0xA;
	s2 =	sadd.s32 s3, s2  }
0x8d: {  	s2 =	sadd.s32 s2, s16  }
0x8e: {  	[smem:$0x3FBD] =	sst s2  }
0x8f: {  	_ = 	snop  }
0x90: {  	(tm) =	ssettm $0x1  }
0x91: {  	s17 =	sld [smem:$0x3FFB];
	_ =	sdelay $0x3  }
0x92: {  	_ =	strace s17  }
0x93: {  	s2 =	sld [smem:$0x3FFC];
	_ =	sdelay $0x3  }
0x94: {  	_ =	strace s2  }
0x95: {  	s2 =	sld [smem:$0x3FFD];
	_ =	sdelay $0x3  }
0x96: {  	_ =	strace s2  }
0x97: {  	_ =	strace $0x8FFFFFFF  }
0x98: {  	s18 =	sld [smem:$0x3FDB];
	_ =	sdelay $0x1  }
0x99: {  	s19 =	simm.s32 $_scs_section_size  }
0x9a: {  	s4 =	simm.s32 $_size__tile_overlayer_lowered;
	s5 =	simm.s32 $_tile_overlayer_lowered  }
0x9b: {  	s22 =	simm.s32 $0x1BFF;
	s21 =	sshll.u32 s5, $0x1;
	s2 =	sadd.s32 s19, s18  }
0x9c: {  	s6 =	simm.s32 $0x0;
	s20 =	sshll.u32 s4, $0x1;
	s4 =	sadd.s32 s21, s2  }
0x9d: {  	[timem:s6], [sflag:s22] =	dma.local [hbm:s4], s20  }
0x9e: {  	_ =	swait.ge [sflag:s22], s20  }
0x9f: {  	s3 =	ssub.s32 $0x0, s20;
	[sflag:s22] =	ssyncset.done $0x0  }
0xa0: {  	[sflag:s22] =	ssyncadd.s32 s3;
	_ =	sdelay $0x1  }
0xa1: {  	s23 =	simm.s32 $0x1B8B  }
0xa2: {  	_ =	swait.ge [sflag:s23], $0x1  }
0xa3: {  	[sflag:s23] =	ssyncset.done $0x0  }
0xa4: {  	s25 =	simm.s32 $0x1B8E;
	s24 =	sld [smem:$0x3FFE];
	[sflag:s23] =	ssyncadd.s32 $0xFFFFFFFF  }
0xa5: {  	s26 =	simm.s32 $execute0_lowered;
	[smem:$0x3FD2] =	sst s25  }
0xa6: {  	s4 =	sshll.u32 s26, $0x1;
	_ =	strace $0x8000004F;
	[dreg:$0x1] =	wrdreg $0xFFFFFFFF  }
0xa7: {  	s28 =	simm.s32 $_size_execute0_lowered;
	s2 =	sadd.s32 s2, s4;
	[dreg:$0x0] =	wrdreg $0x0  }
0xa8: {  	s4 =	sshll.u32 s28, $0x1;
	[dreg:$0x2] =	wrdreg s2  }
0xa9: {  	[dreg:$0x3] =	wrdreg s4  }
0xaa: {  	[dreg:$0x4] =	wrdreg $0xC0  }
0xab: {  	_ =	task [dreg:s6], $0x5FFFF  }
0xac: {  	[dreg:$0x1] =	wrdreg $0xFFFFFFFF  }
0xad: {  	[dreg:$0x0] =	wrdreg $0x60  }
0xae: {  	[dreg:$0x2] =	wrdreg s24  }
0xaf: {  	[dreg:$0x3] =	wrdreg $0x82000  }
0xb0: {  	[dreg:$0x4] =	wrdreg $0x9  }
0xb1: {  	_ =	task.clear_ibuf [dreg:s6], $0x5FFFF;
	_ =	strace $0x9000004F  }
0xb2: {  	s29 =	simm.s32 $0x9;
	_ =	strace $0x80000051  }
0xb3: {  	_ =	swait.ge [sflag:s29], $0x1  }
0xb4: {  	[sflag:s29] =	ssyncadd.s32 $0xFFFFFFFF  }
0xb5: {  	_ =	strace $0x90000051  }
0xb6: {  	_ =	sfence  }
0xb7: {  	s30 =	sld [smem:$0x0];
	_ =	sdelay $0x2  }
0xb8: {  	s31 =	sshll.u32 s1, $0xD;
	s1 =	sshrl.u32 s1, $0x2  }
0xb9: {  	s3 =	sand.u32 $0x4000, s31;
	s1 =	sadd.s32 s1, s30  }
0xba: {  	s0 =	sor.u32 s3, s0;
	s1 =	sshll.u32 s1, $0x11  }
0xbb: {  	s0 =	sor.u32 s1, s0  }
0xbc: {  	s0 =	sadd.s32 $0x8F2B, s0  }
0xbd: {  	[sflag:s0] =	ssyncadd.remote.s32 $0x1  }
0xbe: {  	_ =	sfence.sel $0xFFFF  }
0xbf: {  	[dreg:$0x0] =	wrdreg $0xFFFFFFFF;
	(pc) =	sbr.abs _section_cstart, $3  }
0xc0: {  	[dreg:$0x1] =	wrdreg $0xFFFFFFFF  }
0xc1: {  	_ =	task.clear_ibuf [dreg:s6], $0x2FFFF;
	_ =	strace $0x9FFFFFFF  }
0xc2: {  	(tm) =	ssettm $0x7FFFFFFF  }
0xc3: {  	_ =	shalt  }
tec
execute0_lowered:
.L_overlay_start_1:
0x0: {  	(tag) =	ssettag $0x1  }
0x1: {  	s7 =	rddreg [dreg:$0x0]  }
0x2: {  	s2 =	rddreg [dreg:$0x1]  }
0x3: {  	s0 =	rddreg [dreg:$0x2]  }
0x4: {  	s3 =	simm.s32 $0x0;
	s1 =	stileid.u32;
	s4 =	srdreg.scid  }
0x5: {  	s17 =	simm.s32 $0x180;
	s18 =	simm.s32 $0x4200;
	s19 =	simm.s32 $0x100  }
0x6: {  	s20 =	simm.s32 $0x200;
	s21 =	simm.s32 $0x2;
	s22 =	simm.s32 $0x3  }
0x7: {  	s23 =	simm.s32 $0x4;
	s24 =	simm.s32 $0x0;
	[smem:$0x7FF] =	sst s3  }
0x8: {  	s8 =	smul.u32 $0x13C00, s1;
	s9 =	sand.u32 $0x1, s4;
	s4 =	sadd.s32 $0x3FA00, s7  }
0x9: {  	s5 =	sadd.s32 $0x4200, s7;
	s6 =	sadd.s32 $0xE200, s7;
	s26 =	sshll.u32 s1, $0x1  }
0xa: {  	s12 =	smul.u32 $0x4F000, s1;
	s31 =	sshll.u32 s1, $0x6;
	_ =	strace $0x80000050  }
0xb: {  	s10 =	smul.u32 $0x13C000, s9;
	s28 =	ssub.s32 $0x2, s9;
	s14 =	sor.u32 s9, s26  }
0xc: {  	s11 =	sshrl.u32 s8, $0x3;
	s29 =	sshrl.u32 s28, $0x1;
	s30 =	sshrl.u32 s12, $0x2  }
0xd: {  	s11 =	sadd.s32 s11, s7;
	s8 =	sadd.s32 s8, s10;
	s10 =	smul.u32 $0x500, s14  }
.Ltmp0:
0xe: {  	s15 =	ssub.s32 s28, s29;
	s8 =	sshrl.u32 s8, $0x3;
	(pc) =	sbr.rel .LBB2_1-.Ltmp0, $4  }
0xf: {  	s16 =	sadd.s32 s30, s2;
	s13 =	sadd.s32 s8, s7;
	s7 =	sadd.s32 $0x18200, s11  }
0x10: {  	s8 =	sor.u32 $0x1C05, s31;
	s9 =	sadd.s32 s5, s10;
	s10 =	sadd.s32 s6, s10  }
0x11: {  	s11 =	smul.u32 $0x2800, s14;
	s14 =	sshrl.u32 s16, $0x3;
	s16 =	simm.s32 $0x80  }
0x12: {  	s12 =	sadd.s32 $0x66C00, s13;
	s13 =	smax.u32 s15, $0x1;
	s15 =	simm.s32 $0x5  }
.LBB2_4:
0x13: {  	[spmem:s2] =	stream.indirect.scatter.add.f32 [tilespmem:s18], [sflag:$0x4], $0x80, s17, s16, $0xb8;
	[tilespmem:$0x1BE00] =	vst v63  }
0x14: {  	_ =	swait.ge [sflag:s23], $0x4000  }
0x15: {  	s24 =	sadd.s32 $0x1, s24;
	[sflag:s23] =	ssyncset.done $0x0  }
0x16: {  	p0 =	sne.s32 s24, s13;
	[sflag:s23] =	ssyncadd.s32 $0xFFFFC000  }
.Ltmp1:
0x17: {  	[bflag:$0x0] =	sbarrier.arrive $0xFFFF;
	(pc) =	sbr.rel @!p0 .LBB2_5-.Ltmp1, $4  }
0x18: {  	[hbm:s12], [sflag:s8] =	dma.local [spmem:s14], $0x2780  }
0x19: {  	_ =	swait.ge [sflag:s15], $0x2780  }
0x1a: {  	[sflag:s15] =	ssyncset.done $0x0  }
0x1b: {  	[sflag:s15] =	ssyncadd.s32 $0xFFFFD880  }
.LBB2_1:
0x1c: {  	[spmem:s14], [sflag:s8] =	dma.local [hbm:s7], $0x2780  }
0x1d: {  	_ =	swait.ge [sflag:s15], $0x2780  }
0x1e: {  	[sflag:s15] =	ssyncset.done $0x0  }
0x1f: {  	[sflag:s15] =	ssyncadd.s32 $0xFFFFD880  }
0x20: {  	s25 =	simm.s32 $0x0;
	[bflag:$0x0] =	sbarrier.arrive $0xFFFF  }
.LBB2_2:
0x21: {  	p0 =	sne.s32 s25, $0x0  }
0x22: {  	s26 =	simm.s32 @p0 $0x1  }
0x23: {  	_ =	swait.ge @p0 [sflag:s26], $0x4000  }
0x24: {  	[sflag:s26] =	ssyncset.done @p0 $0x0  }
0x25: {  	s28 =	simm.s32 @!p0 $0x5;
	[sflag:s26] =	ssyncadd.s32 @p0 $0xFFFFC000;
	s26 =	simm.s32 @!p0 $0x0  }
0x26: {  	[tilespmem:s26], [sflag:$0x5] =	stream.linear.gather @!p0 [hbm4b:s9+s26], $0x80, $0x38;
	[tilespmem:$0x1BE00] =	vst v63  }
0x27: {  	_ =	swait.ge @!p0 [sflag:s28], $0x80  }
0x28: {  	[sflag:s28] =	ssyncset.done @!p0 $0x0  }
0x29: {  	s29 =	simm.s32 @!p0 $0x100;
	[sflag:s28] =	ssyncadd.s32 @!p0 $0xFFFFFF80  }
0x2a: {  	[tilespmem:s29], [sflag:$0x5] =	stream.linear.gather @!p0 [hbm4b:s10+s26], $0x80, $0x38;
	[tilespmem:$0x1BE00] =	vst v63  }
0x2b: {  	_ =	swait.ge @!p0 [sflag:s28], $0x80  }
0x2c: {  	[sflag:s28] =	ssyncset.done @!p0 $0x0  }
0x2d: {  	s29 =	simm.s32 @!p0 $0x200;
	[sflag:s28] =	ssyncadd.s32 @!p0 $0xFFFFFF80;
	s28 =	simm.s32 @!p0 $0x80  }
0x2e: {  	[tilespmem:s29], [sflag:$0x1] =	stream.indirect.gather @!p0 [hbm4b:s4+s28], $0x80, s26, s28, $0xb8;
	[tilespmem:$0x1BE00] =	vst v63  }
0x2f: {  	s29 =	sand.u32 $0x3C00, s25  }
0x30: {  	s30 =	sand.u32 $0x300, s25;
	s28 =	simm.s32 @!p0 $0x1;
	s26 =	sadd.s32 s11, s29  }
0x31: {  	s28 =	simm.s32 @p0 $0x4;
	s26 =	sor.u32 s26, s30  }
0x32: {  	_ =	swait.ge [sflag:s28], $0x4000;
	s26 =	sor.u32 $0x80, s26  }
0x33: {  	[sflag:s28] =	ssyncset.done $0x0;
	s26 =	sshrl.u32 s26, $0x3  }
0x34: {  	[sflag:s28] =	ssyncadd.s32 $0xFFFFC000;
	s31 =	sadd.s32 s5, s26  }
0x35: {  	[tilespmem:s16], [sflag:$0x5] =	stream.linear.gather [hbm4b:s31+s3], $0x80, $0x38;
	[tilespmem:$0x1BE00] =	vst v63  }
0x36: {  	_ =	swait.ge [sflag:s15], $0x80  }
0x37: {  	[sflag:s15] =	ssyncset.done $0x0  }
0x38: {  	s26 =	sadd.s32 s6, s26;
	[sflag:s15] =	ssyncadd.s32 $0xFFFFFF80  }
0x39: {  	[tilespmem:s17], [sflag:$0x5] =	stream.linear.gather [hbm4b:s26+s3], $0x80, $0x38;
	[tilespmem:$0x1BE00] =	vst v63  }
0x3a: {  	_ =	swait.ge [sflag:s15], $0x80  }
0x3b: {  	[sflag:s15] =	ssyncset.done $0x0  }
0x3c: {  	[sflag:s15] =	ssyncadd.s32 $0xFFFFFF80  }
0x3d: {  	[tilespmem:s18], [sflag:$0x2] =	stream.indirect.gather [hbm4b:s4+s16], $0x80, s16, s16, $0xb8;
	[tilespmem:$0x1BE00] =	vst v63  }
0x3e: {  	_ = 	snop  }
0x3f: {  	[spmem:s2] =	stream.indirect.scatter.add.f32 [tilespmem:s20], [sflag:$0x3], $0x80, s19, s16, $0xb8;
	[tilespmem:$0x1BE00] =	vst v63  }
0x40: {  	p0 =	seq.s32 s25, $0x2700;
	_ =	swait.ge [sflag:s21], $0x4000  }
.Ltmp2:
0x41: {  	[sflag:s21] =	ssyncset.done $0x0;
	(pc) =	sbr.rel @p0 .LBB2_4-.Ltmp2, $4  }
0x42: {  	[sflag:s21] =	ssyncadd.s32 $0xFFFFC000  }
0x43: {  	_ =	swait.ge [sflag:s22], $0x4000  }
0x44: {  	[sflag:s22] =	ssyncset.done $0x0  }
0x45: {  	[sflag:s22] =	ssyncadd.s32 $0xFFFFC000  }
0x46: {  	s25 =	sadd.s32 $0x100, s25  }
0x47: {  	s26 =	sand.u32 $0x7C00, s25  }
0x48: {  	s28 =	sand.u32 $0x300, s25;
	s26 =	sadd.s32 s11, s26  }
0x49: {  	s26 =	sor.u32 s28, s26  }
0x4a: {  	s26 =	sshrl.u32 s26, $0x3  }
0x4b: {  	s31 =	sadd.s32 s5, s26  }
0x4c: {  	[tilespmem:s3], [sflag:$0x5] =	stream.linear.gather [hbm4b:s31+s3], $0x80, $0x38;
	[tilespmem:$0x1BE00] =	vst v63  }
0x4d: {  	_ =	swait.ge [sflag:s15], $0x80  }
0x4e: {  	[sflag:s15] =	ssyncset.done $0x0  }
0x4f: {  	s26 =	sadd.s32 s6, s26;
	[sflag:s15] =	ssyncadd.s32 $0xFFFFFF80  }
0x50: {  	[tilespmem:s19], [sflag:$0x5] =	stream.linear.gather [hbm4b:s26+s3], $0x80, $0x38;
	[tilespmem:$0x1BE00] =	vst v63  }
0x51: {  	_ =	swait.ge [sflag:s15], $0x80  }
.Ltmp3:
0x52: {  	[sflag:s15] =	ssyncset.done $0x0;
	(pc) =	sbr.rel .LBB2_2-.Ltmp3, $4  }
0x53: {  	[sflag:s15] =	ssyncadd.s32 $0xFFFFFF80  }
0x54: {  	[tilespmem:s20], [sflag:$0x1] =	stream.indirect.gather [hbm4b:s4+s16], $0x80, s3, s16, $0xb8;
	[tilespmem:$0x1BE00] =	vst v63  }
0x55: {  	_ = 	snop  }
0x56: {  	[spmem:s2] =	stream.indirect.scatter.add.f32 [tilespmem:s18], [sflag:$0x4], $0x80, s17, s16, $0xb8;
	[tilespmem:$0x1BE00] =	vst v63  }
.LBB2_5:
0x57: {  	_ =	sfence.sel $0x180000  }
0x58: {  	[bflag:$0x0] =	sbarrier.arrive $0xFFFF  }
0x59: {  	p0 =	sne.s32 s1, $0x0;
	_ =	strace $0x90000050  }
0x5a: {  	s0 =	sadd.s32 @!p0 $0x100000, s0;
	[bflag:$0x2] =	sbarrier.arrive $0xFFFF  }
0x5b: {  	[sflag:s0] =	ssyncadd.tile.s32 @!p0 $0x1;
	_ =	shalt  }
.Lfunc_end2:
_tile_overlayer_lowered:
.L_overlay_start_2:
0x5c: {  	(tag) =	ssettag $0x2  }
0x5d: {  	s0 =	rddreg [dreg:$0x0];
	s2 =	stileid.u32  }
0x5e: {  	s1 =	rddreg [dreg:$0x1];
	p0 =	sne.s32 s2, $0x0  }
0x5f: {  	s3 =	rddreg [dreg:$0x2];
	[bflag:$0x3] =	sbarrier.arrive $0xFFFF;
	s2 =	simm.s32 @!p0 $0x1C05  }
0x60: {  	[timem:s3], [sflag:s2] =	dma.local @!p0 [hbm:s0], s1  }
0x61: {  	s0 =	simm.s32 @!p0 $0x5  }
0x62: {  	_ =	swait.ge @!p0 [sflag:s0], s1  }
0x63: {  	s1 =	ssub.s32 @!p0 $0x0, s1;
	[sflag:s0] =	ssyncset.done @!p0 $0x0  }
0x64: {  	[sflag:s0] =	ssyncadd.s32 @!p0 s1  }
0x65: {  	[bflag:$0x3] =	sbarrier.arrive $0xFFFF  }
0x66: {  	_ =	shalt  }

// kernel: kernel.9.cloned.1.call-start
scs
__scs_entry_jumppad:
0x0: {  	(pc) =	sbr.rel $0x88, $3  }
0x1: {  	(tag) =	ssettag $0x0;
	lr =	simm.s32 $0x1  }
0x2: {  	[smem:$0x3F96] =	sst lr;
	_ =	strace $0xD0000000  }
0x3: {  	_ = 	snop  }
0x4: {  	_ = 	snop  }
0x5: {  	_ = 	snop  }
0x6: {  	_ = 	snop  }
0x7: {  	_ = 	snop  }
__scs_overlays_trampoline_lowered:
0x8: {  	[smem:$0x3FA5] =	sst s0  }
0x9: {  	[smem:$0x3FA6] =	sst s1  }
0xa: {  	[smem:$0x3FA7] =	sst s2  }
0xb: {  	[smem:$0x3FA8] =	sst s3  }
0xc: {  	[smem:$0x3FA9] =	sst s4  }
0xd: {  	[smem:$0x3FAA] =	sst s5  }
0xe: {  	[smem:$0x3FAB] =	sst s6  }
0xf: {  	[smem:$0x3FAC] =	sst s7  }
0x10: {  	[smem:$0x3FAD] =	sst s8  }
0x11: {  	[smem:$0x3FAE] =	sst s9;
	s0 =	simm.s32 @!p0 $0x0  }
0x12: {  	s1 =	sld [smem:$0x3F94];
	s0 =	simm.s32 @p0 $0x1  }
0x13: {  	[smem:$0x3FAF] =	sst s0;
	s0 =	simm.s32 @!p1 $0x0  }
0x14: {  	s2 =	sld [smem:$0x3F93];
	s0 =	simm.s32 @p1 $0x1  }
0x15: {  	[smem:$0x3FB0] =	sst s0;
	s0 =	simm.s32 @!p2 $0x0  }
0x16: {  	s3 =	sld [smem:$0x3FDB];
	s0 =	simm.s32 @p2 $0x1  }
0x17: {  	s4 =	simm.s32 $0x1BF5;
	[smem:$0x3FB2] =	sst s0  }
0x18: {  	s0 =	sld [smem:$0x3F95];
	_ =	swait.ge [sflag:s4], $0x0  }
0x19: {  	s7 =	sld [smem:$0x3F96]  }
0x1a: {  	s8 =	sadd.s32 $0xFFFFE003, lr  }
0x1b: {  	s9 =	sadd.s32 $0xFFFFFEF7, lr;
	s5 =	simm.s32 $0xFFFFFFFF;
	p2 =	slt.u32 s8, $0xFFFFF086  }
0x1c: {  	p1 =	slt.u32 s9, $0xF7A;
	s5 =	simm.s32 @!p2 $0x0  }
0x1d: {  	s5 =	simm.s32 @p1 $0x1;
	p0 =	seq.s32 s7, s2  }
0x1e: {  	s7 =	smul.u32 @!p0 $0xF7A, s2;
	p2 =	seq.s32 @!p0 s5, $0x0  }
0x1f: {  	s9 =	smul.u32 $0xF7A, s1;
	s8 =	simm.s32 @!p0 $0x1BF5;
	p2 =	por !p2, p0  }
0x20: {  	[sflag:s8] =	ssyncset.s32 @!p0 $0xFFFFF086;
	s6 =	sadd.s32 @!p0 s3, s7;
	s7 =	simm.s32 @!p0 $0x108  }
0x21: {  	s3 =	sadd.s32 s3, s9;
	s6 =	sadd.s32 @!p0 $0x88, s6;
	s7 =	simm.s32 @p2 $0x1082  }
0x22: {  	[simem:s7], [sflag:s8] =	dma.local @!p0 [hbm:s6], $0xF7A  }
0x23: {  	s9 =	sor.u32 $0xD0000000, s2;
	s6 =	simm.s32 $0x108;
	_ =	swait.ge @!p0 [sflag:s8], $0x0  }
0x24: {  	s3 =	sadd.s32 $0x88, s3;
	s6 =	simm.s32 @!p1 $0x1082;
	[sflag:s4] =	ssyncset.s32 $0xFFFFF086  }
0x25: {  	[simem:s6], [sflag:s4] =	dma.local [hbm:s3], $0xF7A  }
0x26: {  	[smem:$0x3F96] =	sst s1;
	(tag) =	ssettag s2;
	_ =	strace s9  }
0x27: {  	s1 =	sld [smem:$0x3FA6]  }
0x28: {  	s2 =	sld [smem:$0x3FA7]  }
0x29: {  	s4 =	sld [smem:$0x3FA9]  }
0x2a: {  	p0 =	seq.s32 s5, $0x0;
	s5 =	sld [smem:$0x3FAA]  }
0x2b: {  	s6 =	sld [smem:$0x3FAB]  }
0x2c: {  	s7 =	sld [smem:$0x3FAC]  }
0x2d: {  	s3 =	simm.s32 $0x108;
	s8 =	sld [smem:$0x3FAD]  }
0x2e: {  	s3 =	simm.s32 @!p0 $0x1082;
	s9 =	sld [smem:$0x3FAE]  }
0x2f: {  	lr =	sadd.s32 s0, s3;
	s0 =	sld [smem:$0x3FA5]  }
0x30: {  	s3 =	sld [smem:$0x3FA8]  }
0x31: {  	[smem:$0x3FB1] =	sst s10  }
0x32: {  	s10 =	sld [smem:$0x3FAF];
	_ =	sdelay $0x3  }
0x33: {  	p0 =	seq.s32 s10, $0x1;
	s10 =	sld [smem:$0x3FB1];
	_ =	sdelay $0x3  }
0x34: {  	[smem:$0x3FB1] =	sst s10  }
0x35: {  	s10 =	sld [smem:$0x3FB0];
	_ =	sdelay $0x3  }
0x36: {  	p1 =	seq.s32 s10, $0x1;
	s10 =	sld [smem:$0x3FB1];
	_ =	sdelay $0x3  }
0x37: {  	[smem:$0x3FB1] =	sst s10  }
0x38: {  	s10 =	sld [smem:$0x3FB2]  }
0x39: {  	_ = 	snop;
	(pc) =	sbr.ind lr, $3  }
0x3a: {  	_ = 	snop  }
0x3b: {  	_ = 	snop  }
0x3c: {  	p2 =	seq.s32 s10, $0x1;
	s10 =	sld [smem:$0x3FB1]  }
0x3d: {  	_ =	shalt  }
0x3e: {  	_ =	shalt  }
0x3f: {  	_ =	shalt  }
0x40: {  	_ =	shalt  }
0x41: {  	_ =	shalt  }
0x42: {  	_ =	shalt  }
0x43: {  	_ =	shalt  }
0x44: {  	_ =	shalt  }
0x45: {  	_ =	shalt  }
0x46: {  	_ =	shalt  }
0x47: {  	_ =	shalt  }
0x48: {  	_ =	shalt  }
0x49: {  	_ =	shalt  }
0x4a: {  	_ =	shalt  }
0x4b: {  	_ =	shalt  }
0x4c: {  	_ =	shalt  }
0x4d: {  	_ =	shalt  }
0x4e: {  	_ =	shalt  }
0x4f: {  	_ =	shalt  }
0x50: {  	_ =	shalt  }
0x51: {  	_ =	shalt  }
0x52: {  	_ =	shalt  }
0x53: {  	_ =	shalt  }
0x54: {  	_ =	shalt  }
0x55: {  	_ =	shalt  }
0x56: {  	_ =	shalt  }
0x57: {  	_ =	shalt  }
0x58: {  	_ =	shalt  }
0x59: {  	_ =	shalt  }
0x5a: {  	_ =	shalt  }
0x5b: {  	_ =	shalt  }
0x5c: {  	_ =	shalt  }
0x5d: {  	_ =	shalt  }
0x5e: {  	_ =	shalt  }
0x5f: {  	_ =	shalt  }
0x60: {  	_ =	shalt  }
0x61: {  	_ =	shalt  }
0x62: {  	_ =	shalt  }
0x63: {  	_ =	shalt  }
0x64: {  	_ =	shalt  }
0x65: {  	_ =	shalt  }
0x66: {  	_ =	shalt  }
0x67: {  	_ =	shalt  }
0x68: {  	_ =	shalt  }
0x69: {  	_ =	shalt  }
0x6a: {  	_ =	shalt  }
0x6b: {  	_ =	shalt  }
0x6c: {  	_ =	shalt  }
0x6d: {  	_ =	shalt  }
0x6e: {  	_ =	shalt  }
0x6f: {  	_ =	shalt  }
0x70: {  	_ =	shalt  }
0x71: {  	_ =	shalt  }
0x72: {  	_ =	shalt  }
0x73: {  	_ =	shalt  }
0x74: {  	_ =	shalt  }
0x75: {  	_ =	shalt  }
0x76: {  	_ =	shalt  }
0x77: {  	_ =	shalt  }
0x78: {  	_ =	shalt  }
0x79: {  	_ =	shalt  }
0x7a: {  	_ =	shalt  }
0x7b: {  	_ =	shalt  }
0x7c: {  	_ =	shalt  }
0x7d: {  	_ =	shalt  }
0x7e: {  	_ =	shalt  }
0x7f: {  	_ =	shalt  }
0x80: {  	_ =	shalt  }
0x81: {  	_ =	shalt  }
0x82: {  	_ =	shalt  }
0x83: {  	_ =	shalt  }
0x84: {  	_ =	shalt  }
0x85: {  	_ =	shalt  }
0x86: {  	_ =	shalt  }
0x87: {  	_ =	shalt  }
.Lfunc_end0:
.L_simem_size_0:
called_computation_lowered:
.L_overlay_start_0:
0x88: {  	s2 =	sld [smem:$0x3FD9]  }
0x89: {  	s3 =	sld [smem:$0x3FFE];
	_ =	sdelay $0x1  }
0x8a: {  	s1 =	srdreg.scid  }
0x8b: {  	s0 =	sand.u32 $0x1, s1  }
0x8c: {  	s17 =	sshll.u32 s0, $0xA;
	s2 =	sadd.s32 s3, s2  }
0x8d: {  	s2 =	sadd.s32 s2, s17  }
0x8e: {  	[smem:$0x3FBD] =	sst s2  }
0x8f: {  	_ = 	snop  }
0x90: {  	s2 =	sld [smem:$0x3FD0];
	(tm) =	ssettm $0x1  }
0x91: {  	s18 =	sld [smem:$0x3FFB];
	_ =	sdelay $0x3  }
0x92: {  	_ =	strace s18  }
0x93: {  	s3 =	sld [smem:$0x3FFC];
	_ =	sdelay $0x3  }
0x94: {  	_ =	strace s3  }
0x95: {  	s3 =	sld [smem:$0x3FFD];
	_ =	sdelay $0x3  }
0x96: {  	_ =	strace s3  }
0x97: {  	_ =	strace $0x8FFFFFFF  }
0x98: {  	s19 =	sld [smem:$0x3FDB];
	_ =	sdelay $0x1  }
0x99: {  	s4 =	simm.s32 $_scs_section_size  }
0x9a: {  	s5 =	simm.s32 $_size__tile_overlayer_lowered;
	s6 =	simm.s32 $_tile_overlayer_lowered  }
0x9b: {  	s22 =	simm.s32 $0x1BFF;
	s21 =	sshll.u32 s6, $0x1;
	s3 =	sadd.s32 s4, s19  }
0x9c: {  	s7 =	simm.s32 $0x0;
	s20 =	sshll.u32 s5, $0x1;
	s5 =	sadd.s32 s21, s3  }
0x9d: {  	[timem:s7], [sflag:s22] =	dma.local [hbm:s5], s20  }
0x9e: {  	_ =	swait.ge [sflag:s22], s20  }
0x9f: {  	s4 =	ssub.s32 $0x0, s20;
	[sflag:s22] =	ssyncset.done $0x0  }
0xa0: {  	[sflag:s22] =	ssyncadd.s32 s4;
	_ =	sdelay $0x1  }
0xa1: {  	s23 =	simm.s32 $0x1B8B  }
0xa2: {  	_ =	swait.ge [sflag:s23], $0x1  }
0xa3: {  	[sflag:s23] =	ssyncset.done $0x0  }
0xa4: {  	s25 =	simm.s32 $0x1B8E;
	s24 =	sld [smem:$0x3FFE];
	[sflag:s23] =	ssyncadd.s32 $0xFFFFFFFF  }
0xa5: {  	s26 =	simm.s32 $execute0_lowered;
	[smem:$0x3FD2] =	sst s25  }
0xa6: {  	s5 =	sshll.u32 s26, $0x1;
	_ =	strace $0x80000046;
	[dreg:$0x1] =	wrdreg $0xFFFFFFFF  }
0xa7: {  	s28 =	simm.s32 $_size_execute0_lowered;
	s3 =	sadd.s32 s3, s5;
	[dreg:$0x0] =	wrdreg $0x0  }
0xa8: {  	s5 =	sshll.u32 s28, $0x1;
	[dreg:$0x2] =	wrdreg s3  }
0xa9: {  	[dreg:$0x3] =	wrdreg s5  }
0xaa: {  	[dreg:$0x4] =	wrdreg $0xC0  }
0xab: {  	_ =	task [dreg:s7], $0x5FFFF  }
0xac: {  	[dreg:$0x1] =	wrdreg $0xFFFFFFFF  }
0xad: {  	[dreg:$0x0] =	wrdreg $0x60  }
0xae: {  	[dreg:$0x2] =	wrdreg s24  }
0xaf: {  	[dreg:$0x3] =	wrdreg s2  }
0xb0: {  	[dreg:$0x4] =	wrdreg $0x68000  }
0xb1: {  	[dreg:$0x5] =	wrdreg $0x9  }
0xb2: {  	_ =	task.clear_ibuf [dreg:s7], $0x6FFFF;
	_ =	strace $0x90000046  }
0xb3: {  	s29 =	simm.s32 $0x9;
	_ =	strace $0x80000048  }
0xb4: {  	_ =	swait.ge [sflag:s29], $0x1  }
0xb5: {  	[sflag:s29] =	ssyncadd.s32 $0xFFFFFFFF  }
0xb6: {  	_ =	strace $0x90000048  }
0xb7: {  	_ =	sfence  }
0xb8: {  	s30 =	sld [smem:$0x0];
	_ =	sdelay $0x2  }
0xb9: {  	s31 =	sshll.u32 s1, $0xD;
	s1 =	sshrl.u32 s1, $0x2  }
0xba: {  	s3 =	sand.u32 $0x4000, s31;
	s1 =	sadd.s32 s1, s30  }
0xbb: {  	s0 =	sor.u32 s3, s0;
	s1 =	sshll.u32 s1, $0x11  }
0xbc: {  	s0 =	sor.u32 s1, s0  }
0xbd: {  	s0 =	sadd.s32 $0x8F2B, s0  }
0xbe: {  	[sflag:s0] =	ssyncadd.remote.s32 $0x1  }
0xbf: {  	_ =	sfence.sel $0xFFFF  }
0xc0: {  	[dreg:$0x0] =	wrdreg $0xFFFFFFFF;
	(pc) =	sbr.abs _section_cstart, $3  }
0xc1: {  	[dreg:$0x1] =	wrdreg $0xFFFFFFFF  }
0xc2: {  	_ =	task.clear_ibuf [dreg:s7], $0x2FFFF;
	_ =	strace $0x9FFFFFFF  }
0xc3: {  	(tm) =	ssettm $0x7FFFFFFF  }
tec
execute0_lowered:
.L_overlay_start_1:
0x0: {  	(tag) =	ssettag $0x1  }
0x1: {  	s5 =	rddreg [dreg:$0x0]  }
0x2: {  	s1 =	srdreg.scid;
	s2 =	rddreg [dreg:$0x1]  }
0x3: {  	s0 =	stileid.u32;
	s3 =	rddreg [dreg:$0x2];
	s4 =	simm.s32 $0x0  }
0x4: {  	s13 =	simm.s32 $0x80;
	s14 =	simm.s32 $0x1;
	s15 =	simm.s32 $0x100  }
0x5: {  	s16 =	simm.s32 $0x2;
	s17 =	simm.s32 $0x2780;
	s18 =	simm.s32 $0x0  }
0x6: {  	s6 =	sand.u32 $0x1, s1;
	s26 =	sshll.u32 s0, $0x1;
	s8 =	smul.u32 $0x13C00, s0  }
0x7: {  	[smem:$0x7FF] =	sst s4;
	s28 =	smul.u32 $0x4F000, s0;
	s31 =	sshll.u32 s0, $0x6  }
0x8: {  	s1 =	sor.u32 s6, s26;
	s9 =	smul.u32 $0x13C000, s6;
	s6 =	ssub.s32 $0x2, s6  }
0x9: {  	s7 =	smul.u32 $0x500, s1;
	s1 =	rddreg [dreg:$0x3];
	_ =	strace $0x80000047  }
0xa: {  	s10 =	sshrl.u32 s8, $0x3;
	s29 =	sshrl.u32 s6, $0x1;
	s30 =	sshrl.u32 s28, $0x2  }
0xb: {  	s8 =	sadd.s32 s8, s9;
	s10 =	sadd.s32 s10, s5;
	s11 =	ssub.s32 s6, s29  }
0xc: {  	s12 =	sadd.s32 s30, s3;
	s6 =	sor.u32 $0x1C03, s31;
	s7 =	sadd.s32 s7, s5  }
0xd: {  	s8 =	sshrl.u32 s8, $0x3;
	s9 =	smax.u32 s11, $0x1;
	s11 =	simm.s32 $0x3  }
0xe: {  	s8 =	sadd.s32 s8, s5;
	s5 =	sadd.s32 $0x18200, s10;
	s7 =	sadd.s32 $0xE200, s7  }
0xf: {  	s10 =	sshrl.u32 s12, $0x3;
	s12 =	simm.s32 $0x2800;
	s8 =	sadd.s32 $0x3FA00, s8  }
.LBB2_1:
0x10: {  	[spmem:s10], [sflag:s6] =	dma.local [hbm:s5], $0x2780  }
0x11: {  	_ =	swait.ge [sflag:s11], $0x2780  }
0x12: {  	[sflag:s11] =	ssyncset.done $0x0  }
0x13: {  	[sflag:s11] =	ssyncadd.s32 $0xFFFFD880  }
0x14: {  	[tilespmem:s12], [sflag:$0x3] =	stream.linear.gather [hbm4b:s2+s4], $0x4000, $0x38;
	[tilespmem:$0x1A400] =	vst v63  }
0x15: {  	_ =	swait.ge [sflag:s11], $0x4000  }
0x16: {  	[sflag:s11] =	ssyncset.done $0x0  }
0x17: {  	[sflag:s11] =	ssyncadd.s32 $0xFFFFC000  }
0x18: {  	[tilespmem:s4], [sflag:$0x3] =	stream.linear.gather [hbm4b:s7+s4], $0x2800, $0x38;
	[tilespmem:$0x1A400] =	vst v63  }
0x19: {  	_ =	swait.ge [sflag:s11], $0x2800  }
0x1a: {  	[sflag:s11] =	ssyncset.done $0x0  }
0x1b: {  	[sflag:s11] =	ssyncadd.s32 $0xFFFFD800  }
0x1c: {  	[bflag:$0x0] =	sbarrier.arrive $0xFFFF  }
0x1d: {  	[spmem:s3] =	stream.indirect.scatter.add.f32 [tilespmem:s12], [sflag:$0x1], $0x80, s4, s13, $0xb8;
	[tilespmem:$0x1A400] =	vst v63  }
0x1e: {  	_ = 	snop  }
0x1f: {  	[spmem:s3] =	stream.indirect.scatter.add.f32 [tilespmem:s12], [sflag:$0x2], $0x80, s13, s13, $0xb8;
	[tilespmem:$0x1A400] =	vst v63  }
0x20: {  	_ =	swait.ge [sflag:s14], $0x4000  }
0x21: {  	[sflag:s14] =	ssyncset.done $0x0  }
0x22: {  	[sflag:s14] =	ssyncadd.s32 $0xFFFFC000  }
0x23: {  	[spmem:s3] =	stream.indirect.scatter.add.f32 [tilespmem:s12], [sflag:$0x1], $0x80, s15, s13, $0xb8;
	[tilespmem:$0x1A400] =	vst v63  }
0x24: {  	_ =	swait.ge [sflag:s16], $0x4000  }
0x25: {  	[sflag:s16] =	ssyncset.done $0x0  }
0x26: {  	s19 =	simm.s32 $0x180;
	[sflag:s16] =	ssyncadd.s32 $0xFFFFC000  }
0x27: {  	[spmem:s3] =	stream.indirect.scatter.add.f32 [tilespmem:s12], [sflag:$0x2], $0x80, s19, s13, $0xb8;
	[tilespmem:$0x1A400] =	vst v63  }
0x28: {  	_ =	swait.ge [sflag:s14], $0x4000  }
0x29: {  	[sflag:s14] =	ssyncset.done $0x0  }
0x2a: {  	s31 =	simm.s32 $0x200;
	[sflag:s14] =	ssyncadd.s32 $0xFFFFC000  }
0x2b: {  	[spmem:s3] =	stream.indirect.scatter.add.f32 [tilespmem:s12], [sflag:$0x1], $0x80, s31, s13, $0xb8;
	[tilespmem:$0x1A400] =	vst v63  }
0x2c: {  	_ =	swait.ge [sflag:s16], $0x4000  }
0x2d: {  	s20 =	simm.s32 $0xFFFF7000;
	s19 =	simm.s32 $0xFFFFDB00;
	[sflag:s16] =	ssyncset.done $0x0  }
.LBB2_2:
0x2e: {  	s21 =	sadd.s32 $0x2780, s19  }
0x2f: {  	[sflag:s16] =	ssyncadd.s32 $0xFFFFC000;
	s22 =	smov.u32 s20;
	s23 =	sadd.s32 $0x400, s20  }
0x30: {  	[spmem:s3] =	stream.indirect.scatter.add.f32 [tilespmem:s12], [sflag:$0x2], $0x80, s21, s13, $0xb8;
	[tilespmem:$0x1A400] =	vst v63  }
0x31: {  	p0 =	sne.s32 s20, $0xFFFFFC00;
	_ =	swait.ge [sflag:s14], $0x4000  }
.Ltmp0:
0x32: {  	[sflag:s14] =	ssyncset.done $0x0;
	(pc) =	sbr.rel @p0 .LBB2_2-.Ltmp0, $4  }
0x33: {  	s19 =	sadd.s32 $0x2800, s19;
	[sflag:s14] =	ssyncadd.s32 $0xFFFFC000  }
0x34: {  	[spmem:s3] =	stream.indirect.scatter.add.f32 [tilespmem:s12], [sflag:$0x1], $0x80, s19, s13, $0xb8;
	[tilespmem:$0x1A400] =	vst v63  }
0x35: {  	_ =	swait.ge [sflag:s16], $0x4000  }
0x36: {  	s20 =	smov.u32 s23;
	s19 =	sshra.s32 s22, $0x2;
	[sflag:s16] =	ssyncset.done $0x0  }
0x37: {  	s20 =	sadd.s32 $0x2780, s19;
	[sflag:s16] =	ssyncadd.s32 $0xFFFFC000  }
0x38: {  	[spmem:s3] =	stream.indirect.scatter.add.f32 [tilespmem:s12], [sflag:$0x2], $0x80, s20, s13, $0xb8;
	[tilespmem:$0x1A400] =	vst v63  }
0x39: {  	_ =	swait.ge [sflag:s14], $0x4000  }
0x3a: {  	[sflag:s14] =	ssyncset.done $0x0  }
0x3b: {  	s31 =	sadd.s32 $0x2800, s19;
	[sflag:s14] =	ssyncadd.s32 $0xFFFFC000  }
0x3c: {  	[spmem:s3] =	stream.indirect.scatter.add.f32 [tilespmem:s12], [sflag:$0x1], $0x80, s31, s13, $0xb8;
	[tilespmem:$0x1A400] =	vst v63  }
0x3d: {  	_ =	swait.ge [sflag:s16], $0x4000  }
0x3e: {  	[sflag:s16] =	ssyncset.done $0x0  }
0x3f: {  	[sflag:s16] =	ssyncadd.s32 $0xFFFFC000  }
0x40: {  	[spmem:s3] =	stream.indirect.scatter.add.f32 [tilespmem:s12], [sflag:$0x2], $0x80, s17, s13, $0xb8;
	[tilespmem:$0x1A400] =	vst v63  }
0x41: {  	_ =	swait.ge [sflag:s14], $0x4000  }
0x42: {  	[sflag:s14] =	ssyncset.done $0x0  }
0x43: {  	[sflag:s14] =	ssyncadd.s32 $0xFFFFC000  }
0x44: {  	_ =	swait.ge [sflag:s16], $0x4000  }
0x45: {  	s18 =	sadd.s32 $0x1, s18;
	[sflag:s16] =	ssyncset.done $0x0  }
0x46: {  	p0 =	sne.s32 s18, s9;
	[sflag:s16] =	ssyncadd.s32 $0xFFFFC000  }
.Ltmp1:
0x47: {  	[bflag:$0x0] =	sbarrier.arrive $0xFFFF;
	(pc) =	sbr.rel @p0 .LBB2_1-.Ltmp1, $4  }
0x48: {  	[hbm:s8], [sflag:s6] =	dma.local [spmem:s10], $0x2780  }
0x49: {  	_ =	swait.ge [sflag:s11], $0x2780  }
0x4a: {  	[sflag:s11] =	ssyncset.done $0x0  }
0x4b: {  	[sflag:s11] =	ssyncadd.s32 $0xFFFFD880  }
0x4c: {  	_ =	sfence.sel $0x180000  }
0x4d: {  	[bflag:$0x0] =	sbarrier.arrive $0xFFFF  }
0x4e: {  	p0 =	sne.s32 s0, $0x0;
	_ =	strace $0x90000047  }
0x4f: {  	s0 =	sadd.s32 @!p0 $0x100000, s1;
	[bflag:$0x2] =	sbarrier.arrive $0xFFFF  }
0x50: {  	[sflag:s0] =	ssyncadd.tile.s32 @!p0 $0x1;
	_ =	shalt  }
.Lfunc_end2:
_tile_overlayer_lowered:
.L_overlay_start_2:
0x51: {  	(tag) =	ssettag $0x2  }
0x52: {  	s0 =	rddreg [dreg:$0x0];
	s2 =	stileid.u32  }
0x53: {  	s1 =	rddreg [dreg:$0x1];
	p0 =	sne.s32 s2, $0x0  }
0x54: {  	s3 =	rddreg [dreg:$0x2];
	[bflag:$0x3] =	sbarrier.arrive $0xFFFF;
	s2 =	simm.s32 @!p0 $0x1C03  }
0x55: {  	[timem:s3], [sflag:s2] =	dma.local @!p0 [hbm:s0], s1  }
0x56: {  	s0 =	simm.s32 @!p0 $0x3  }
0x57: {  	_ =	swait.ge @!p0 [sflag:s0], s1  }
0x58: {  	s1 =	ssub.s32 @!p0 $0x0, s1;
	[sflag:s0] =	ssyncset.done @!p0 $0x0  }
0x59: {  	[sflag:s0] =	ssyncadd.s32 @!p0 s1  }
0x5a: {  	[bflag:$0x3] =	sbarrier.arrive $0xFFFF  }
0x5b: {  	_ =	shalt  }

</sc_bundles>
